<compile_context>
chip_gen: v7x
topology: tpu7x:2x2x1
jax: 0.10.2.dev20260603
libtpu: 0.0.44.dev20260713+nightly
codegen_flags: <defaults>
</compile_context>

<pallas_src>
import functools

import jax
import jax.numpy as jnp
from jax import lax
from jax.experimental import pallas as pl
from jax.experimental.pallas import tpu as pltpu
from jax.experimental.pallas import tpu_sc as plsc

_NUM_CENTROIDS = 1024
_EMA_DECAY = 0.99
_GAMMA = 1.0
_BN = 1024
_BN2 = 2048
_NCAND = 4
_LN2 = 0.6931471805599453
_NC, _NS = 2, 16
_NW = _NC * _NS


def _sim_block(x_ref, cb_ref, cands_ref, psum_ref, hclust_ref, ql_ref):
    i = pl.program_id(0)
    nblocks = pl.num_programs(0)

    @pl.when(i == 0)
    def _init():
        psum_ref[...] = jnp.zeros_like(psum_ref)
        hclust_ref[...] = jnp.zeros_like(hclust_ref)

    x = x_ref[...]
    cb = cb_ref[...]
    sim = jax.lax.dot_general(x, cb, (((1,), (1,)), ((), ())),
                              preferred_element_type=jnp.float32)
    iota = jax.lax.broadcasted_iota(jnp.int32, sim.shape, 1)

    e = jnp.exp(sim)
    denom = jnp.sum(e, axis=-1, keepdims=True)
    psum_ref[...] += jnp.sum(e / denom, axis=0, keepdims=True)
    ent_row = jnp.sum(e * sim, axis=-1, keepdims=True)
    hc_rows = ent_row / (denom * _LN2) - jnp.log2(denom)
    hclust_ref[...] += jnp.sum(hc_rows).reshape(1, 1)

    work = sim
    cands = []
    for _ in range(_NCAND):
        c = jnp.argmax(work, axis=-1, keepdims=True).astype(jnp.int32)
        cands.append(c)
        work = jnp.where(iota == c, -jnp.inf, work)
    cands_ref[...] = jnp.concatenate(cands, axis=1)

    @pl.when(i == nblocks - 1)
    def _finish():
        n = nblocks * _BN
        h_clust = -(hclust_ref[...] / n)
        div = psum_ref[...] / n
        h_div = -jnp.sum(div * jnp.log2(div + 1e-8)).reshape(1, 1)
        ql_ref[...] = h_clust - _GAMMA * h_div


def _run_sim(flat, codebook):
    n, d = flat.shape
    k = codebook.shape[0]
    nblocks = n // _BN
    out_shapes = (
        jax.ShapeDtypeStruct((n, _NCAND), jnp.int32),
        jax.ShapeDtypeStruct((1, k), jnp.float32),
        jax.ShapeDtypeStruct((1, 1), jnp.float32),
        jax.ShapeDtypeStruct((1, 1), jnp.float32),
    )
    in_specs = [pl.BlockSpec((_BN, d), lambda i: (i, 0)),
                pl.BlockSpec((k, d), lambda i: (0, 0))]
    out_specs = (
        pl.BlockSpec((_BN, _NCAND), lambda i: (i, 0)),
        pl.BlockSpec((1, k), lambda i: (0, 0)),
        pl.BlockSpec((1, 1), lambda i: (0, 0)),
        pl.BlockSpec((1, 1), lambda i: (0, 0)),
    )
    return pl.pallas_call(
        _sim_block,
        grid=(nblocks,),
        in_specs=in_specs,
        out_specs=out_specs,
        out_shape=out_shapes,
        compiler_params=pltpu.CompilerParams(
            dimension_semantics=("arbitrary",)),
    )(flat, codebook)


def _sc_gather(table, idx):
    b = idx.shape[0]
    d = table.shape[1]
    b_per_w = b // _NW
    chunk = 512
    nchunks = b_per_w // chunk
    mesh = plsc.VectorSubcoreMesh(core_axis_name="c", subcore_axis_name="s")

    @functools.partial(
        pl.kernel, mesh=mesh,
        out_type=jax.ShapeDtypeStruct((b, d), jnp.float32),
        scratch_types=[
            pltpu.VMEM((chunk,), jnp.int32),
            pltpu.VMEM((chunk, d), jnp.float32),
            pltpu.SemaphoreType.DMA,
        ],
    )
    def _gather_kernel(table_hbm, idx_hbm, out_hbm, idx_v, rows_v, sem):
        wid = lax.axis_index("s") * _NC + lax.axis_index("c")
        base = wid * b_per_w
        for j in range(nchunks):
            off = base + j * chunk
            pltpu.sync_copy(idx_hbm.at[pl.ds(off, chunk)], idx_v)
            pltpu.async_copy(table_hbm.at[idx_v], rows_v, sem).wait()
            pltpu.sync_copy(rows_v, out_hbm.at[pl.ds(off, chunk)])

    return _gather_kernel(table, idx)


def _pick_block(x_ref, rows_ref, cands_ref, quant_ref, idx_ref, counts_ref):
    i = pl.program_id(0)

    @pl.when(i == 0)
    def _init():
        counts_ref[...] = jnp.zeros_like(counts_ref)

    x = x_ref[...]
    d = x.shape[1]
    rows4 = rows_ref[...]
    call = cands_ref[...]
    k = counts_ref.shape[1]

    cands, dots, rows = [], [], []
    for t in range(_NCAND):
        row = rows4[:, t * 128:t * 128 + d]
        rows.append(row)
        cands.append(call[:, t:t + 1])
        dots.append(jnp.sum(x * row, axis=-1, keepdims=True))

    best = dots[0]
    for d_ in dots[1:]:
        best = jnp.maximum(best, d_)
    idx = jnp.full_like(cands[0], k)
    for c, d_ in zip(cands, dots):
        idx = jnp.where(d_ == best, jnp.minimum(idx, c), idx)
    idx_ref[...] = idx

    iota = jax.lax.broadcasted_iota(jnp.int32, (x.shape[0], k), 1)
    counts_ref[...] += jnp.sum((iota == idx).astype(jnp.float32),
                               axis=0, keepdims=True)

    q = rows[0]
    for c, row in zip(cands[1:], rows[1:]):
        q = jnp.where(c == idx, row, q)
    qc = q - jnp.mean(q, axis=-1, keepdims=True)
    quant_ref[...] = qc / jnp.sqrt(jnp.sum(qc * qc, axis=-1, keepdims=True))


def _run_pick(flat, rows4, cands):
    n, d = flat.shape
    k = _NUM_CENTROIDS
    nblocks = n // _BN2
    out_shapes = (
        jax.ShapeDtypeStruct((n, d), jnp.float32),
        jax.ShapeDtypeStruct((n, 1), jnp.int32),
        jax.ShapeDtypeStruct((1, k), jnp.float32),
    )
    in_specs = [
        pl.BlockSpec((_BN2, d), lambda i: (i, 0)),
        pl.BlockSpec((_BN2, _NCAND * 128), lambda i: (i, 0)),
        pl.BlockSpec((_BN2, _NCAND), lambda i: (i, 0)),
    ]
    out_specs = (
        pl.BlockSpec((_BN2, d), lambda i: (i, 0)),
        pl.BlockSpec((_BN2, 1), lambda i: (i, 0)),
        pl.BlockSpec((1, k), lambda i: (0, 0)),
    )
    return pl.pallas_call(
        _pick_block,
        grid=(nblocks,),
        in_specs=in_specs,
        out_specs=out_specs,
        out_shape=out_shapes,
        compiler_params=pltpu.CompilerParams(
            dimension_semantics=("arbitrary",)),
    )(flat, rows4, cands)


def kernel(inputs, codebook, cluster_counts, train):
    b, t, d = inputs.shape
    n = b * t
    flat = inputs.reshape(n, d)
    cands, _psum, _hc, ql = _run_sim(flat, codebook)
    idxflat = cands.reshape(n * _NCAND)
    cbpad = jnp.pad(codebook, ((0, 0), (0, 128 - d)))
    gathered = _sc_gather(cbpad, idxflat)
    rows4 = gathered.reshape(n, _NCAND * 128)
    quant, idx, counts = _run_pick(flat, rows4, cands)
    quantized = quant.reshape(inputs.shape)
    nn_idx = idx.reshape(1, b, t)
    quantization_loss = jnp.broadcast_to(ql[0, 0], (b, t, _NUM_CENTROIDS))
    counts_out = jnp.where(train,
                           _EMA_DECAY * cluster_counts
                           + (1.0 - _EMA_DECAY) * counts[0],
                           cluster_counts)
    codebook_values = codebook[None]
    return (quantized, quantization_loss, nn_idx, codebook_values, counts_out)

# --- scband reference (transcript-rebuilt; emitter-appended) ---
"""Pipeline reference for scband-vector-quantizer-ent-44530220925011 (READ-ONLY COPY).

The authoritative reference and input builder live on the scoring server;
editing this copy changes nothing except your own understanding.
"""

import jax, jax.numpy as jnp
import numpy as np

NUM_CENTROIDS = 1024
EMA_DECAY = 0.99
GAMMA = 1.0
INIT_SCALE = 0.1


def setup_inputs(seed: int = 0) -> dict:
    key = jax.random.key(seed)
    k1, k2 = jax.random.split(key)
    inputs = jax.random.normal(k1, (16, 1024, 32), dtype=jnp.float32)
    init_fn = jax.nn.initializers.variance_scaling(INIT_SCALE, 'fan_avg', 'normal')
    codebook = init_fn(k2, (NUM_CENTROIDS, 32), jnp.float32)
    cluster_counts = jnp.ones((NUM_CENTROIDS,), dtype=jnp.float32)
    return {"inputs": inputs, "codebook": codebook, "cluster_counts": cluster_counts, "train": True}


def _ent_loss(scores):
    scores = jnp.reshape(scores, [-1, scores.shape[-1]])
    h_clust = jnp.sum(scores * jnp.log2(scores + 1e-08), axis=-1)
    h_clust = -jnp.mean(h_clust)
    diversity = jnp.mean(scores, axis=0)
    h_diversity = -jnp.sum(diversity * jnp.log2(diversity + 1e-08))
    return h_clust - GAMMA * h_diversity


def reference(inputs, codebook, cluster_counts, train):
    embedding_dim = inputs.shape[-1]
    flat_inputs = jnp.reshape(inputs, [-1, embedding_dim])
    # expand_dims(codebook, range(flat_inputs.ndim - 1)) with flat ndim==2 -> axis (0,)
    codes = jnp.expand_dims(codebook, 0)  # [1, K, d]
    features = jax.lax.stop_gradient(flat_inputs)
    features = jnp.expand_dims(features, -2)  # [N, 1, d]
    similarity = jnp.sum(features * codes, axis=-1)  # [N, K]
    scores = jax.nn.softmax(similarity, axis=-1)
    nn_idx = jnp.argmax(scores, axis=-1)  # [N]
    encodings = jax.nn.one_hot(nn_idx, NUM_CENTROIDS)  # [N, K]
    counts = jnp.sum(encodings, axis=0)  # [K]
    counts_out = jnp.where(train, EMA_DECAY * cluster_counts + (1.0 - EMA_DECAY) * counts, cluster_counts)
    quantized = jnp.matmul(encodings, codes)  # [1, N, d]
    quantized = quantized - jnp.mean(quantized, axis=-1, keepdims=True)
    quantized = quantized / jnp.linalg.norm(quantized, axis=-1, keepdims=True)
    quantized = jnp.reshape(quantized, inputs.shape)
    nn_idx = jnp.reshape(nn_idx, inputs.shape[:-1])
    ql = _ent_loss(scores)
    quantization_loss = jnp.full(inputs.shape[:-1] + (NUM_CENTROIDS,), ql)
    quantized = inputs + jax.lax.stop_gradient(quantized - inputs)
    nn_idx = jnp.expand_dims(nn_idx, 0)
    codebook_values = jax.lax.stop_gradient(jnp.expand_dims(codebook, 0))
    return (quantized, quantization_loss, nn_idx, codebook_values, counts_out)

if __name__ == "__main__":
    import jax
    _d = setup_inputs()
    print(jax.jit(kernel)(*tuple(_d.values())))

</pallas_src>

<mosaic_0001>
#map = affine_map<(d0, d1) -> (0, 0)>
#map1 = affine_map<(d0, d1) -> (0)>
module attributes {stable_mosaic.version = 14 : i64} {
  func.func @_gather_kernel(%arg0: i32, %arg1: i32, %arg2: memref<1024x128xf32, #tpu.memory_space<hbm>>, %arg3: memref<65536xi32, #tpu.memory_space<hbm>>, %arg4: memref<65536x128xf32, #tpu.memory_space<hbm>>, %arg5: memref<512xi32, #tpu.memory_space<vmem>>, %arg6: memref<512x128xf32, #tpu.memory_space<vmem>>, %arg7: memref<!tpu.dma_semaphore, #tpu.memory_space<semaphore_mem>>) attributes {dimension_semantics = [#tpu.dimension_semantics<core_parallel>, #tpu.dimension_semantics<subcore_parallel>], iteration_bounds = array<i64: 2, 16>, scalar_prefetch = 0 : i64, scratch_operands = 3 : i64, tpu.core_type = #tpu.core_type<sc_vector_subcore>, window_params = [{transform_indices = #map}, {transform_indices = #map1}, {transform_indices = #map}]} {
    %mul3A = arith.constant 2 : i32
    %mul3A_0 = arith.muli %arg1, %mul3A : i32
    %add3A = arith.addi %mul3A_0, %arg0 : i32
    %mul3A_1 = arith.constant 2048 : i32
    %mul3A_2 = arith.muli %add3A, %mul3A_1 : i32
    %add3A_3 = arith.constant 0 : i32
    %add3A_4 = arith.addi %mul3A_2, %add3A_3 : i32
    "tpu.region"() ({
      %run_scoped3A = tpu.sem_alloc : memref<!tpu.dma_semaphore, #tpu.memory_space<semaphore_mem>>
      %dma_start3A_33 = tpu.memref_slice %arg3[%add3A_4] : memref<65536xi32, #tpu.memory_space<hbm>> -> memref<512xi32, #tpu.memory_space<hbm>>
      %dma_start3A_34 = tpu.memref_slice %arg3[%add3A_4] : memref<65536xi32, #tpu.memory_space<hbm>> -> memref<512xi32, #tpu.memory_space<hbm>>
      tpu.enqueue_dma source(%dma_start3A_34 : memref<512xi32, #tpu.memory_space<hbm>>) target(%arg5 : memref<512xi32, #tpu.memory_space<vmem>>) target_semaphore(%run_scoped3A : memref<!tpu.dma_semaphore, #tpu.memory_space<semaphore_mem>>)
      %dma_wait3A_35 = tpu.memref_slice %arg3[%add3A_4] : memref<65536xi32, #tpu.memory_space<hbm>> -> memref<512xi32, #tpu.memory_space<hbm>>
      %dma_wait3A_36 = tpu.memref_slice %arg3[%add3A_4] : memref<65536xi32, #tpu.memory_space<hbm>> -> memref<512xi32, #tpu.memory_space<hbm>>
      tpu.wait_dma2 semaphore(%run_scoped3A : memref<!tpu.dma_semaphore, #tpu.memory_space<semaphore_mem>>) src(%dma_wait3A_36 : memref<512xi32, #tpu.memory_space<hbm>>) dst(%arg5 : memref<512xi32, #tpu.memory_space<vmem>>)
      tpu.yield
    }) : () -> ()
    %dma_start3A = arith.constant 0 : i32
    %dma_start3A_5 = arith.constant 0 : i32
    %dma_start3A_6 = tpu.memref_slice %arg2[%dma_start3A, %dma_start3A_5] : memref<1024x128xf32, #tpu.memory_space<hbm>> -> memref<1024x128xf32, #tpu.memory_space<hbm>>
    tpu.enqueue_indirect_dma source(%dma_start3A_6 : memref<1024x128xf32, #tpu.memory_space<hbm>>) target(%arg6 : memref<512x128xf32, #tpu.memory_space<vmem>>) offsets(%arg5 : memref<512xi32, #tpu.memory_space<vmem>>) semaphore(%arg7 : memref<!tpu.dma_semaphore, #tpu.memory_space<semaphore_mem>>)
    %dma_wait3A = arith.constant 0 : i32
    %dma_wait3A_7 = arith.constant 0 : i32
    %dma_wait3A_8 = tpu.memref_slice %arg2[%dma_wait3A, %dma_wait3A_7] : memref<1024x128xf32, #tpu.memory_space<hbm>> -> memref<1024x128xf32, #tpu.memory_space<hbm>>
    tpu.wait_indirect_dma semaphore(%arg7 : memref<!tpu.dma_semaphore, #tpu.memory_space<semaphore_mem>>) src(%dma_wait3A_8 : memref<1024x128xf32, #tpu.memory_space<hbm>>) dst(%arg6 : memref<512x128xf32, #tpu.memory_space<vmem>>)
    "tpu.region"() ({
      %run_scoped3A = tpu.sem_alloc : memref<!tpu.dma_semaphore, #tpu.memory_space<semaphore_mem>>
      %dma_start3A_33 = arith.constant 0 : i32
      %dma_start3A_34 = tpu.memref_slice %arg4[%add3A_4, %dma_start3A_33] : memref<65536x128xf32, #tpu.memory_space<hbm>> -> memref<512x128xf32, #tpu.memory_space<hbm>>
      %dma_start3A_35 = arith.constant 0 : i32
      %dma_start3A_36 = tpu.memref_slice %arg4[%add3A_4, %dma_start3A_35] : memref<65536x128xf32, #tpu.memory_space<hbm>> -> memref<512x128xf32, #tpu.memory_space<hbm>>
      tpu.enqueue_dma source(%arg6 : memref<512x128xf32, #tpu.memory_space<vmem>>) target(%dma_start3A_36 : memref<512x128xf32, #tpu.memory_space<hbm>>) target_semaphore(%run_scoped3A : memref<!tpu.dma_semaphore, #tpu.memory_space<semaphore_mem>>)
      %dma_wait3A_37 = arith.constant 0 : i32
      %dma_wait3A_38 = tpu.memref_slice %arg4[%add3A_4, %dma_wait3A_37] : memref<65536x128xf32, #tpu.memory_space<hbm>> -> memref<512x128xf32, #tpu.memory_space<hbm>>
      %dma_wait3A_39 = arith.constant 0 : i32
      %dma_wait3A_40 = tpu.memref_slice %arg4[%add3A_4, %dma_wait3A_39] : memref<65536x128xf32, #tpu.memory_space<hbm>> -> memref<512x128xf32, #tpu.memory_space<hbm>>
      tpu.wait_dma2 semaphore(%run_scoped3A : memref<!tpu.dma_semaphore, #tpu.memory_space<semaphore_mem>>) src(%arg6 : memref<512x128xf32, #tpu.memory_space<vmem>>) dst(%dma_wait3A_40 : memref<512x128xf32, #tpu.memory_space<hbm>>)
      tpu.yield
    }) : () -> ()
    %add3A_9 = arith.constant 512 : i32
    %add3A_10 = arith.addi %mul3A_2, %add3A_9 : i32
    "tpu.region"() ({
      %run_scoped3A = tpu.sem_alloc : memref<!tpu.dma_semaphore, #tpu.memory_space<semaphore_mem>>
      %dma_start3A_33 = tpu.memref_slice %arg3[%add3A_10] : memref<65536xi32, #tpu.memory_space<hbm>> -> memref<512xi32, #tpu.memory_space<hbm>>
      %dma_start3A_34 = tpu.memref_slice %arg3[%add3A_10] : memref<65536xi32, #tpu.memory_space<hbm>> -> memref<512xi32, #tpu.memory_space<hbm>>
      tpu.enqueue_dma source(%dma_start3A_34 : memref<512xi32, #tpu.memory_space<hbm>>) target(%arg5 : memref<512xi32, #tpu.memory_space<vmem>>) target_semaphore(%run_scoped3A : memref<!tpu.dma_semaphore, #tpu.memory_space<semaphore_mem>>)
      %dma_wait3A_35 = tpu.memref_slice %arg3[%add3A_10] : memref<65536xi32, #tpu.memory_space<hbm>> -> memref<512xi32, #tpu.memory_space<hbm>>
      %dma_wait3A_36 = tpu.memref_slice %arg3[%add3A_10] : memref<65536xi32, #tpu.memory_space<hbm>> -> memref<512xi32, #tpu.memory_space<hbm>>
      tpu.wait_dma2 semaphore(%run_scoped3A : memref<!tpu.dma_semaphore, #tpu.memory_space<semaphore_mem>>) src(%dma_wait3A_36 : memref<512xi32, #tpu.memory_space<hbm>>) dst(%arg5 : memref<512xi32, #tpu.memory_space<vmem>>)
      tpu.yield
    }) : () -> ()
    %dma_start3A_11 = arith.constant 0 : i32
    %dma_start3A_12 = arith.constant 0 : i32
    %dma_start3A_13 = tpu.memref_slice %arg2[%dma_start3A_11, %dma_start3A_12] : memref<1024x128xf32, #tpu.memory_space<hbm>> -> memref<1024x128xf32, #tpu.memory_space<hbm>>
    tpu.enqueue_indirect_dma source(%dma_start3A_13 : memref<1024x128xf32, #tpu.memory_space<hbm>>) target(%arg6 : memref<512x128xf32, #tpu.memory_space<vmem>>) offsets(%arg5 : memref<512xi32, #tpu.memory_space<vmem>>) semaphore(%arg7 : memref<!tpu.dma_semaphore, #tpu.memory_space<semaphore_mem>>)
    %dma_wait3A_14 = arith.constant 0 : i32
    %dma_wait3A_15 = arith.constant 0 : i32
    %dma_wait3A_16 = tpu.memref_slice %arg2[%dma_wait3A_14, %dma_wait3A_15] : memref<1024x128xf32, #tpu.memory_space<hbm>> -> memref<1024x128xf32, #tpu.memory_space<hbm>>
    tpu.wait_indirect_dma semaphore(%arg7 : memref<!tpu.dma_semaphore, #tpu.memory_space<semaphore_mem>>) src(%dma_wait3A_16 : memref<1024x128xf32, #tpu.memory_space<hbm>>) dst(%arg6 : memref<512x128xf32, #tpu.memory_space<vmem>>)
    "tpu.region"() ({
      %run_scoped3A = tpu.sem_alloc : memref<!tpu.dma_semaphore, #tpu.memory_space<semaphore_mem>>
      %dma_start3A_33 = arith.constant 0 : i32
      %dma_start3A_34 = tpu.memref_slice %arg4[%add3A_10, %dma_start3A_33] : memref<65536x128xf32, #tpu.memory_space<hbm>> -> memref<512x128xf32, #tpu.memory_space<hbm>>
      %dma_start3A_35 = arith.constant 0 : i32
      %dma_start3A_36 = tpu.memref_slice %arg4[%add3A_10, %dma_start3A_35] : memref<65536x128xf32, #tpu.memory_space<hbm>> -> memref<512x128xf32, #tpu.memory_space<hbm>>
      tpu.enqueue_dma source(%arg6 : memref<512x128xf32, #tpu.memory_space<vmem>>) target(%dma_start3A_36 : memref<512x128xf32, #tpu.memory_space<hbm>>) target_semaphore(%run_scoped3A : memref<!tpu.dma_semaphore, #tpu.memory_space<semaphore_mem>>)
      %dma_wait3A_37 = arith.constant 0 : i32
      %dma_wait3A_38 = tpu.memref_slice %arg4[%add3A_10, %dma_wait3A_37] : memref<65536x128xf32, #tpu.memory_space<hbm>> -> memref<512x128xf32, #tpu.memory_space<hbm>>
      %dma_wait3A_39 = arith.constant 0 : i32
      %dma_wait3A_40 = tpu.memref_slice %arg4[%add3A_10, %dma_wait3A_39] : memref<65536x128xf32, #tpu.memory_space<hbm>> -> memref<512x128xf32, #tpu.memory_space<hbm>>
      tpu.wait_dma2 semaphore(%run_scoped3A : memref<!tpu.dma_semaphore, #tpu.memory_space<semaphore_mem>>) src(%arg6 : memref<512x128xf32, #tpu.memory_space<vmem>>) dst(%dma_wait3A_40 : memref<512x128xf32, #tpu.memory_space<hbm>>)
      tpu.yield
    }) : () -> ()
    %add3A_17 = arith.constant 1024 : i32
    %add3A_18 = arith.addi %mul3A_2, %add3A_17 : i32
    "tpu.region"() ({
      %run_scoped3A = tpu.sem_alloc : memref<!tpu.dma_semaphore, #tpu.memory_space<semaphore_mem>>
      %dma_start3A_33 = tpu.memref_slice %arg3[%add3A_18] : memref<65536xi32, #tpu.memory_space<hbm>> -> memref<512xi32, #tpu.memory_space<hbm>>
      %dma_start3A_34 = tpu.memref_slice %arg3[%add3A_18] : memref<65536xi32, #tpu.memory_space<hbm>> -> memref<512xi32, #tpu.memory_space<hbm>>
      tpu.enqueue_dma source(%dma_start3A_34 : memref<512xi32, #tpu.memory_space<hbm>>) target(%arg5 : memref<512xi32, #tpu.memory_space<vmem>>) target_semaphore(%run_scoped3A : memref<!tpu.dma_semaphore, #tpu.memory_space<semaphore_mem>>)
      %dma_wait3A_35 = tpu.memref_slice %arg3[%add3A_18] : memref<65536xi32, #tpu.memory_space<hbm>> -> memref<512xi32, #tpu.memory_space<hbm>>
      %dma_wait3A_36 = tpu.memref_slice %arg3[%add3A_18] : memref<65536xi32, #tpu.memory_space<hbm>> -> memref<512xi32, #tpu.memory_space<hbm>>
      tpu.wait_dma2 semaphore(%run_scoped3A : memref<!tpu.dma_semaphore, #tpu.memory_space<semaphore_mem>>) src(%dma_wait3A_36 : memref<512xi32, #tpu.memory_space<hbm>>) dst(%arg5 : memref<512xi32, #tpu.memory_space<vmem>>)
      tpu.yield
    }) : () -> ()
    %dma_start3A_19 = arith.constant 0 : i32
    %dma_start3A_20 = arith.constant 0 : i32
    %dma_start3A_21 = tpu.memref_slice %arg2[%dma_start3A_19, %dma_start3A_20] : memref<1024x128xf32, #tpu.memory_space<hbm>> -> memref<1024x128xf32, #tpu.memory_space<hbm>>
    tpu.enqueue_indirect_dma source(%dma_start3A_21 : memref<1024x128xf32, #tpu.memory_space<hbm>>) target(%arg6 : memref<512x128xf32, #tpu.memory_space<vmem>>) offsets(%arg5 : memref<512xi32, #tpu.memory_space<vmem>>) semaphore(%arg7 : memref<!tpu.dma_semaphore, #tpu.memory_space<semaphore_mem>>)
    %dma_wait3A_22 = arith.constant 0 : i32
    %dma_wait3A_23 = arith.constant 0 : i32
    %dma_wait3A_24 = tpu.memref_slice %arg2[%dma_wait3A_22, %dma_wait3A_23] : memref<1024x128xf32, #tpu.memory_space<hbm>> -> memref<1024x128xf32, #tpu.memory_space<hbm>>
    tpu.wait_indirect_dma semaphore(%arg7 : memref<!tpu.dma_semaphore, #tpu.memory_space<semaphore_mem>>) src(%dma_wait3A_24 : memref<1024x128xf32, #tpu.memory_space<hbm>>) dst(%arg6 : memref<512x128xf32, #tpu.memory_space<vmem>>)
    "tpu.region"() ({
      %run_scoped3A = tpu.sem_alloc : memref<!tpu.dma_semaphore, #tpu.memory_space<semaphore_mem>>
      %dma_start3A_33 = arith.constant 0 : i32
      %dma_start3A_34 = tpu.memref_slice %arg4[%add3A_18, %dma_start3A_33] : memref<65536x128xf32, #tpu.memory_space<hbm>> -> memref<512x128xf32, #tpu.memory_space<hbm>>
      %dma_start3A_35 = arith.constant 0 : i32
      %dma_start3A_36 = tpu.memref_slice %arg4[%add3A_18, %dma_start3A_35] : memref<65536x128xf32, #tpu.memory_space<hbm>> -> memref<512x128xf32, #tpu.memory_space<hbm>>
      tpu.enqueue_dma source(%arg6 : memref<512x128xf32, #tpu.memory_space<vmem>>) target(%dma_start3A_36 : memref<512x128xf32, #tpu.memory_space<hbm>>) target_semaphore(%run_scoped3A : memref<!tpu.dma_semaphore, #tpu.memory_space<semaphore_mem>>)
      %dma_wait3A_37 = arith.constant 0 : i32
      %dma_wait3A_38 = tpu.memref_slice %arg4[%add3A_18, %dma_wait3A_37] : memref<65536x128xf32, #tpu.memory_space<hbm>> -> memref<512x128xf32, #tpu.memory_space<hbm>>
      %dma_wait3A_39 = arith.constant 0 : i32
      %dma_wait3A_40 = tpu.memref_slice %arg4[%add3A_18, %dma_wait3A_39] : memref<65536x128xf32, #tpu.memory_space<hbm>> -> memref<512x128xf32, #tpu.memory_space<hbm>>
      tpu.wait_dma2 semaphore(%run_scoped3A : memref<!tpu.dma_semaphore, #tpu.memory_space<semaphore_mem>>) src(%arg6 : memref<512x128xf32, #tpu.memory_space<vmem>>) dst(%dma_wait3A_40 : memref<512x128xf32, #tpu.memory_space<hbm>>)
      tpu.yield
    }) : () -> ()
    %add3A_25 = arith.constant 1536 : i32
    %add3A_26 = arith.addi %mul3A_2, %add3A_25 : i32
    "tpu.region"() ({
      %run_scoped3A = tpu.sem_alloc : memref<!tpu.dma_semaphore, #tpu.memory_space<semaphore_mem>>
      %dma_start3A_33 = tpu.memref_slice %arg3[%add3A_26] : memref<65536xi32, #tpu.memory_space<hbm>> -> memref<512xi32, #tpu.memory_space<hbm>>
      %dma_start3A_34 = tpu.memref_slice %arg3[%add3A_26] : memref<65536xi32, #tpu.memory_space<hbm>> -> memref<512xi32, #tpu.memory_space<hbm>>
      tpu.enqueue_dma source(%dma_start3A_34 : memref<512xi32, #tpu.memory_space<hbm>>) target(%arg5 : memref<512xi32, #tpu.memory_space<vmem>>) target_semaphore(%run_scoped3A : memref<!tpu.dma_semaphore, #tpu.memory_space<semaphore_mem>>)
      %dma_wait3A_35 = tpu.memref_slice %arg3[%add3A_26] : memref<65536xi32, #tpu.memory_space<hbm>> -> memref<512xi32, #tpu.memory_space<hbm>>
      %dma_wait3A_36 = tpu.memref_slice %arg3[%add3A_26] : memref<65536xi32, #tpu.memory_space<hbm>> -> memref<512xi32, #tpu.memory_space<hbm>>
      tpu.wait_dma2 semaphore(%run_scoped3A : memref<!tpu.dma_semaphore, #tpu.memory_space<semaphore_mem>>) src(%dma_wait3A_36 : memref<512xi32, #tpu.memory_space<hbm>>) dst(%arg5 : memref<512xi32, #tpu.memory_space<vmem>>)
      tpu.yield
    }) : () -> ()
    %dma_start3A_27 = arith.constant 0 : i32
    %dma_start3A_28 = arith.constant 0 : i32
    %dma_start3A_29 = tpu.memref_slice %arg2[%dma_start3A_27, %dma_start3A_28] : memref<1024x128xf32, #tpu.memory_space<hbm>> -> memref<1024x128xf32, #tpu.memory_space<hbm>>
    tpu.enqueue_indirect_dma source(%dma_start3A_29 : memref<1024x128xf32, #tpu.memory_space<hbm>>) target(%arg6 : memref<512x128xf32, #tpu.memory_space<vmem>>) offsets(%arg5 : memref<512xi32, #tpu.memory_space<vmem>>) semaphore(%arg7 : memref<!tpu.dma_semaphore, #tpu.memory_space<semaphore_mem>>)
    %dma_wait3A_30 = arith.constant 0 : i32
    %dma_wait3A_31 = arith.constant 0 : i32
    %dma_wait3A_32 = tpu.memref_slice %arg2[%dma_wait3A_30, %dma_wait3A_31] : memref<1024x128xf32, #tpu.memory_space<hbm>> -> memref<1024x128xf32, #tpu.memory_space<hbm>>
    tpu.wait_indirect_dma semaphore(%arg7 : memref<!tpu.dma_semaphore, #tpu.memory_space<semaphore_mem>>) src(%dma_wait3A_32 : memref<1024x128xf32, #tpu.memory_space<hbm>>) dst(%arg6 : memref<512x128xf32, #tpu.memory_space<vmem>>)
    "tpu.region"() ({
      %run_scoped3A = tpu.sem_alloc : memref<!tpu.dma_semaphore, #tpu.memory_space<semaphore_mem>>
      %dma_start3A_33 = arith.constant 0 : i32
      %dma_start3A_34 = tpu.memref_slice %arg4[%add3A_26, %dma_start3A_33] : memref<65536x128xf32, #tpu.memory_space<hbm>> -> memref<512x128xf32, #tpu.memory_space<hbm>>
      %dma_start3A_35 = arith.constant 0 : i32
      %dma_start3A_36 = tpu.memref_slice %arg4[%add3A_26, %dma_start3A_35] : memref<65536x128xf32, #tpu.memory_space<hbm>> -> memref<512x128xf32, #tpu.memory_space<hbm>>
      tpu.enqueue_dma source(%arg6 : memref<512x128xf32, #tpu.memory_space<vmem>>) target(%dma_start3A_36 : memref<512x128xf32, #tpu.memory_space<hbm>>) target_semaphore(%run_scoped3A : memref<!tpu.dma_semaphore, #tpu.memory_space<semaphore_mem>>)
      %dma_wait3A_37 = arith.constant 0 : i32
      %dma_wait3A_38 = tpu.memref_slice %arg4[%add3A_26, %dma_wait3A_37] : memref<65536x128xf32, #tpu.memory_space<hbm>> -> memref<512x128xf32, #tpu.memory_space<hbm>>
      %dma_wait3A_39 = arith.constant 0 : i32
      %dma_wait3A_40 = tpu.memref_slice %arg4[%add3A_26, %dma_wait3A_39] : memref<65536x128xf32, #tpu.memory_space<hbm>> -> memref<512x128xf32, #tpu.memory_space<hbm>>
      tpu.wait_dma2 semaphore(%run_scoped3A : memref<!tpu.dma_semaphore, #tpu.memory_space<semaphore_mem>>) src(%arg6 : memref<512x128xf32, #tpu.memory_space<vmem>>) dst(%dma_wait3A_40 : memref<512x128xf32, #tpu.memory_space<hbm>>)
      tpu.yield
    }) : () -> ()
    return
  }
}

module attributes {stable_mosaic.version = 14 : i64} {
  func.func @_sim_block(%arg0: i32, %arg1: memref<1024x32xf32, #tpu.memory_space<vmem>>, %arg2: memref<1024x32xf32, #tpu.memory_space<vmem>>, %arg3: memref<1024x4xi32, #tpu.memory_space<vmem>>, %arg4: memref<1x1024xf32, #tpu.memory_space<vmem>>, %arg5: memref<1x1xf32, #tpu.memory_space<vmem>>, %arg6: memref<1x1xf32, #tpu.memory_space<vmem>>) attributes {dimension_semantics = [#tpu.dimension_semantics<arbitrary>], iteration_bounds = array<i64: 16>, scalar_prefetch = 0 : i64, scratch_operands = 0 : i64, tpu.core_type = #tpu.core_type<tc>, window_params = [{transform_indices = @transform_0, window_bounds = array<i64: 1024, 32>}, {pipeline_mode = #tpu.pipeline_mode<synchronous>, transform_indices = @transform_1, window_bounds = array<i64: 1024, 32>}, {transform_indices = @transform_2, window_bounds = array<i64: 1024, 4>}, {pipeline_mode = #tpu.pipeline_mode<synchronous>, transform_indices = @transform_3, window_bounds = array<i64: 1, 1024>}, {pipeline_mode = #tpu.pipeline_mode<synchronous>, transform_indices = @transform_4, window_bounds = array<i64: 1, 1>}, {pipeline_mode = #tpu.pipeline_mode<synchronous>, transform_indices = @transform_5, window_bounds = array<i64: 1, 1>}]} {
    %eq3A = arith.constant 0 : i32
    %eq3A_0 = arith.cmpi eq, %arg0, %eq3A : i32
    %convert_element_type3A = arith.extui %eq3A_0 : i1 to i32
    %cond3A = arith.constant 0 : i32
    %cond3A_1 = arith.cmpi ne, %convert_element_type3A, %cond3A : i32
    scf.if %cond3A_1 {
      %broadcast_in_dim3A_69 = arith.constant 0.000000e+00 : f32
      %broadcast_in_dim3A_70 = vector.broadcast %broadcast_in_dim3A_69 : f32 to vector<1x1024xf32>
      %swap3A_71 = arith.constant 0 : index
      %swap3A_72 = arith.constant 0 : index
      %swap3A_73 = vector.load %arg4[%swap3A_71, %swap3A_72] : memref<1x1024xf32, #tpu.memory_space<vmem>>, vector<1x1024xf32>
      tpu.vector_store %arg4[%swap3A_71, %swap3A_72], %broadcast_in_dim3A_70 {strides = array<i32>} : memref<1x1024xf32, #tpu.memory_space<vmem>>, vector<1x1024xf32>,
      %broadcast_in_dim3A_74 = arith.constant 0.000000e+00 : f32
      %broadcast_in_dim3A_75 = vector.broadcast %broadcast_in_dim3A_74 : f32 to vector<1x1xf32>
      %swap3A_76 = arith.constant 0 : index
      %swap3A_77 = arith.constant 0 : index
      %swap3A_78 = vector.load %arg5[%swap3A_76, %swap3A_77] : memref<1x1xf32, #tpu.memory_space<vmem>>, vector<1x1xf32>
      tpu.vector_store %arg5[%swap3A_76, %swap3A_77], %broadcast_in_dim3A_75 {strides = array<i32>} : memref<1x1xf32, #tpu.memory_space<vmem>>, vector<1x1xf32>,
    } else {
    }
    %get3A = arith.constant 0 : index
    %get3A_2 = arith.constant 0 : index
    %get3A_3 = vector.load %arg1[%get3A, %get3A_2] : memref<1024x32xf32, #tpu.memory_space<vmem>>, vector<1024x32xf32>
    %get3A_4 = arith.constant 0 : index
    %get3A_5 = arith.constant 0 : index
    %get3A_6 = vector.load %arg2[%get3A_4, %get3A_5] : memref<1024x32xf32, #tpu.memory_space<vmem>>, vector<1024x32xf32>
    %dot_general3A = arith.constant dense<0.000000e+00> : vector<1024x1024xf32>
    %dot_general3A_7 = tpu.matmul %get3A_3, %get3A_6, %dot_general3A {dimension_numbers = #tpu.dot_dimension_numbers<[1], [1], [0], [0], [0, 0, 1, 0], [], []>, transpose_lhs_hint = false} : vector<1024x32xf32>, vector<1024x32xf32>, vector<1024x1024xf32> -> vector<1024x1024xf32>
    %iota3A = tpu.iota {dimensions = array<i32: 1>} : vector<1024x1024xi32>
    %exp3A = math.exp %dot_general3A_7 : vector<1024x1024xf32>
    %reduce_sum3A = arith.constant dense<0.000000e+00> : vector<1024xf32>
    %reduce_sum3A_8 = vector.multi_reduction <add>, %exp3A, %reduce_sum3A [1] : vector<1024x1024xf32> to vector<1024xf32>
    %broadcast_in_dim3A = vector.shape_cast %reduce_sum3A_8 : vector<1024xf32> to vector<1024x1xf32>
    %get3A_9 = arith.constant 0 : index
    %get3A_10 = arith.constant 0 : index
    %get3A_11 = vector.load %arg4[%get3A_9, %get3A_10] : memref<1x1024xf32, #tpu.memory_space<vmem>>, vector<1x1024xf32>
    %div3A = vector.broadcast %broadcast_in_dim3A : vector<1024x1xf32> to vector<1024x1024xf32>
    %div3A_12 = arith.divf %exp3A, %div3A : vector<1024x1024xf32>
    %reduce_sum3A_13 = arith.constant dense<0.000000e+00> : vector<1024xf32>
    %reduce_sum3A_14 = vector.multi_reduction <add>, %div3A_12, %reduce_sum3A_13 [0] : vector<1024x1024xf32> to vector<1024xf32>
    %broadcast_in_dim3A_15 = vector.shape_cast %reduce_sum3A_14 : vector<1024xf32> to vector<1x1024xf32>
    %add3A = arith.addf %get3A_11, %broadcast_in_dim3A_15 : vector<1x1024xf32>
    %swap3A = arith.constant 0 : index
    %swap3A_16 = arith.constant 0 : index
    %swap3A_17 = vector.load %arg4[%swap3A, %swap3A_16] : memref<1x1024xf32, #tpu.memory_space<vmem>>, vector<1x1024xf32>
    tpu.vector_store %arg4[%swap3A, %swap3A_16], %add3A {strides = array<i32>} : memref<1x1024xf32, #tpu.memory_space<vmem>>, vector<1x1024xf32>,
    %mul3A = arith.mulf %exp3A, %dot_general3A_7 : vector<1024x1024xf32>
    %reduce_sum3A_18 = arith.constant dense<0.000000e+00> : vector<1024xf32>
    %reduce_sum3A_19 = vector.multi_reduction <add>, %mul3A, %reduce_sum3A_18 [1] : vector<1024x1024xf32> to vector<1024xf32>
    %broadcast_in_dim3A_20 = vector.shape_cast %reduce_sum3A_19 : vector<1024xf32> to vector<1024x1xf32>
    %mul3A_21 = arith.constant 0.693147182 : f32
    %mul3A_22 = vector.broadcast %mul3A_21 : f32 to vector<1024x1xf32>
    %mul3A_23 = arith.mulf %broadcast_in_dim3A, %mul3A_22 : vector<1024x1xf32>
    %div3A_24 = arith.divf %broadcast_in_dim3A_20, %mul3A_23 : vector<1024x1xf32>
    %log3A = math.log %broadcast_in_dim3A : vector<1024x1xf32>
    %log3A_25 = arith.constant 2.000000e+00 : f32
    %log3A_26 = math.log %log3A_25 : f32
    %div3A_27 = vector.broadcast %log3A_26 : f32 to vector<1024x1xf32>
    %div3A_28 = arith.divf %log3A, %div3A_27 : vector<1024x1xf32>
    %sub3A = arith.subf %div3A_24, %div3A_28 : vector<1024x1xf32>
    %get3A_29 = arith.constant 0 : index
    %get3A_30 = arith.constant 0 : index
    %get3A_31 = vector.load %arg5[%get3A_29, %get3A_30] : memref<1x1xf32, #tpu.memory_space<vmem>>, vector<1x1xf32>
    %reduce_sum3A_32 = vector.shape_cast %sub3A : vector<1024x1xf32> to vector<1x1024x1xf32>
    %reduce_sum3A_33 = arith.constant dense<0.000000e+00> : vector<1xf32>
    %reduce_sum3A_34 = vector.multi_reduction <add>, %reduce_sum3A_32, %reduce_sum3A_33 [1, 2] : vector<1x1024x1xf32> to vector<1xf32>
    %reduce_sum3A_35 = vector.shape_cast %reduce_sum3A_34 : vector<1xf32> to vector<1x1x1xf32>
    %reduce_sum3A_36 = vector.extract %reduce_sum3A_35[0, 0, 0] : f32 from vector<1x1x1xf32>
    %reshape3A = vector.broadcast %reduce_sum3A_36 : f32 to vector<1x1xf32>
    %add3A_37 = arith.addf %get3A_31, %reshape3A : vector<1x1xf32>
    %swap3A_38 = arith.constant 0 : index
    %swap3A_39 = arith.constant 0 : index
    %swap3A_40 = vector.load %arg5[%swap3A_38, %swap3A_39] : memref<1x1xf32, #tpu.memory_space<vmem>>, vector<1x1xf32>
    tpu.vector_store %arg5[%swap3A_38, %swap3A_39], %add3A_37 {strides = array<i32>} : memref<1x1xf32, #tpu.memory_space<vmem>>, vector<1x1xf32>,
    %argmax3A = tpu.reduce_index %dot_general3A_7 {axis = 1 : i32, kind = #tpu.reduction_kind<arg_max>} : vector<1024x1024xf32> -> vector<1024xi32>
    %broadcast_in_dim3A_41 = vector.shape_cast %argmax3A : vector<1024xi32> to vector<1024x1xi32>
    %eq3A_42 = vector.broadcast %broadcast_in_dim3A_41 : vector<1024x1xi32> to vector<1024x1024xi32>
    %eq3A_43 = arith.cmpi eq, %iota3A, %eq3A_42 : vector<1024x1024xi32>
    %jit3A = arith.constant 0xFF800000 : f32
    %broadcast_in_dim3A_44 = vector.broadcast %jit3A : f32 to vector<1024x1024xf32>
    %select_n3A = arith.select %eq3A_43, %broadcast_in_dim3A_44, %dot_general3A_7 : vector<1024x1024xi1>, vector<1024x1024xf32>
    %argmax3A_45 = tpu.reduce_index %select_n3A {axis = 1 : i32, kind = #tpu.reduction_kind<arg_max>} : vector<1024x1024xf32> -> vector<1024xi32>
    %broadcast_in_dim3A_46 = vector.shape_cast %argmax3A_45 : vector<1024xi32> to vector<1024x1xi32>
    %eq3A_47 = vector.broadcast %broadcast_in_dim3A_46 : vector<1024x1xi32> to vector<1024x1024xi32>
    %eq3A_48 = arith.cmpi eq, %iota3A, %eq3A_47 : vector<1024x1024xi32>
    %jit3A_49 = arith.constant 0xFF800000 : f32
    %broadcast_in_dim3A_50 = vector.broadcast %jit3A_49 : f32 to vector<1024x1024xf32>
    %select_n3A_51 = arith.select %eq3A_48, %broadcast_in_dim3A_50, %select_n3A : vector<1024x1024xi1>, vector<1024x1024xf32>
    %argmax3A_52 = tpu.reduce_index %select_n3A_51 {axis = 1 : i32, kind = #tpu.reduction_kind<arg_max>} : vector<1024x1024xf32> -> vector<1024xi32>
    %broadcast_in_dim3A_53 = vector.shape_cast %argmax3A_52 : vector<1024xi32> to vector<1024x1xi32>
    %eq3A_54 = vector.broadcast %broadcast_in_dim3A_53 : vector<1024x1xi32> to vector<1024x1024xi32>
    %eq3A_55 = arith.cmpi eq, %iota3A, %eq3A_54 : vector<1024x1024xi32>
    %jit3A_56 = arith.constant 0xFF800000 : f32
    %broadcast_in_dim3A_57 = vector.broadcast %jit3A_56 : f32 to vector<1024x1024xf32>
    %select_n3A_58 = arith.select %eq3A_55, %broadcast_in_dim3A_57, %select_n3A_51 : vector<1024x1024xi1>, vector<1024x1024xf32>
    %argmax3A_59 = tpu.reduce_index %select_n3A_58 {axis = 1 : i32, kind = #tpu.reduction_kind<arg_max>} : vector<1024x1024xf32> -> vector<1024xi32>
    %broadcast_in_dim3A_60 = vector.shape_cast %argmax3A_59 : vector<1024xi32> to vector<1024x1xi32>
    %concatenate3A = tpu.concatenate %broadcast_in_dim3A_41, %broadcast_in_dim3A_46, %broadcast_in_dim3A_53, %broadcast_in_dim3A_60 in 1 : vector<1024x1xi32>, vector<1024x1xi32>, vector<1024x1xi32>, vector<1024x1xi32> -> vector<1024x4xi32>
    %swap3A_61 = arith.constant 0 : index
    %swap3A_62 = arith.constant 0 : index
    %swap3A_63 = vector.load %arg3[%swap3A_61, %swap3A_62] : memref<1024x4xi32, #tpu.memory_space<vmem>>, vector<1024x4xi32>
    tpu.vector_store %arg3[%swap3A_61, %swap3A_62], %concatenate3A {strides = array<i32>} : memref<1024x4xi32, #tpu.memory_space<vmem>>, vector<1024x4xi32>,
    %eq3A_64 = arith.constant 15 : i32
    %eq3A_65 = arith.cmpi eq, %arg0, %eq3A_64 : i32
    %convert_element_type3A_66 = arith.extui %eq3A_65 : i1 to i32
    %cond3A_67 = arith.constant 0 : i32
    %cond3A_68 = arith.cmpi ne, %convert_element_type3A_66, %cond3A_67 : i32
    scf.if %cond3A_68 {
      %get3A_69 = arith.constant 0 : index
      %get3A_70 = arith.constant 0 : index
      %get3A_71 = vector.load %arg5[%get3A_69, %get3A_70] : memref<1x1xf32, #tpu.memory_space<vmem>>, vector<1x1xf32>
      %div3A_72 = arith.constant 1.638400e+04 : f32
      %div3A_73 = vector.broadcast %div3A_72 : f32 to vector<1x1xf32>
      %div3A_74 = arith.divf %get3A_71, %div3A_73 : vector<1x1xf32>
      %neg3A = arith.constant 0.000000e+00 : f32
      %neg3A_75 = vector.broadcast %neg3A : f32 to vector<1x1xf32>
      %neg3A_76 = arith.subf %neg3A_75, %div3A_74 : vector<1x1xf32>
      %get3A_77 = arith.constant 0 : index
      %get3A_78 = arith.constant 0 : index
      %get3A_79 = vector.load %arg4[%get3A_77, %get3A_78] : memref<1x1024xf32, #tpu.memory_space<vmem>>, vector<1x1024xf32>
      %div3A_80 = arith.constant 1.638400e+04 : f32
      %div3A_81 = vector.broadcast %div3A_80 : f32 to vector<1x1024xf32>
      %div3A_82 = arith.divf %get3A_79, %div3A_81 : vector<1x1024xf32>
      %add3A_83 = arith.constant 9.99999993E-9 : f32
      %add3A_84 = vector.broadcast %add3A_83 : f32 to vector<1x1024xf32>
      %add3A_85 = arith.addf %div3A_82, %add3A_84 : vector<1x1024xf32>
      %log3A_86 = math.log %add3A_85 : vector<1x1024xf32>
      %log3A_87 = arith.constant 2.000000e+00 : f32
      %log3A_88 = math.log %log3A_87 : f32
      %div3A_89 = vector.broadcast %log3A_88 : f32 to vector<1x1024xf32>
      %div3A_90 = arith.divf %log3A_86, %div3A_89 : vector<1x1024xf32>
      %mul3A_91 = arith.mulf %div3A_82, %div3A_90 : vector<1x1024xf32>
      %reduce_sum3A_92 = vector.shape_cast %mul3A_91 : vector<1x1024xf32> to vector<1x1x1024xf32>
      %reduce_sum3A_93 = arith.constant dense<0.000000e+00> : vector<1xf32>
      %reduce_sum3A_94 = vector.multi_reduction <add>, %reduce_sum3A_92, %reduce_sum3A_93 [1, 2] : vector<1x1x1024xf32> to vector<1xf32>
      %reduce_sum3A_95 = vector.shape_cast %reduce_sum3A_94 : vector<1xf32> to vector<1x1x1xf32>
      %reduce_sum3A_96 = vector.extract %reduce_sum3A_95[0, 0, 0] : f32 from vector<1x1x1xf32>
      %reshape3A_97 = vector.broadcast %reduce_sum3A_96 : f32 to vector<1x1xf32>
      %neg3A_98 = arith.constant 0.000000e+00 : f32
      %neg3A_99 = vector.broadcast %neg3A_98 : f32 to vector<1x1xf32>
      %neg3A_100 = arith.subf %neg3A_99, %reshape3A_97 : vector<1x1xf32>
      %mul3A_101 = arith.constant 1.000000e+00 : f32
      %mul3A_102 = vector.broadcast %mul3A_101 : f32 to vector<1x1xf32>
      %mul3A_103 = arith.mulf %mul3A_102, %neg3A_100 : vector<1x1xf32>
      %sub3A_104 = arith.subf %neg3A_76, %mul3A_103 : vector<1x1xf32>
      %swap3A_105 = arith.constant 0 : index
      %swap3A_106 = arith.constant 0 : index
      %swap3A_107 = vector.load %arg6[%swap3A_105, %swap3A_106] : memref<1x1xf32, #tpu.memory_space<vmem>>, vector<1x1xf32>
      tpu.vector_store %arg6[%swap3A_105, %swap3A_106], %sub3A_104 {strides = array<i32>} : memref<1x1xf32, #tpu.memory_space<vmem>>, vector<1x1xf32>,
    } else {
    }
    return
  }
  func.func @transform_0(%arg0: i32) -> (i32, i32) {
    %c0_i32 = arith.constant 0 : i32
    %c0_i32_0 = arith.constant 0 : i32
    return %arg0, %c0_i32 : i32, i32
  }
  func.func @transform_1(%arg0: i32) -> (i32, i32) {
    %c0_i32 = arith.constant 0 : i32
    %c0_i32_0 = arith.constant 0 : i32
    %c0_i32_1 = arith.constant 0 : i32
    return %c0_i32, %c0_i32_0 : i32, i32
  }
  func.func @transform_2(%arg0: i32) -> (i32, i32) {
    %c0_i32 = arith.constant 0 : i32
    %c0_i32_0 = arith.constant 0 : i32
    return %arg0, %c0_i32 : i32, i32
  }
  func.func @transform_3(%arg0: i32) -> (i32, i32) {
    %c0_i32 = arith.constant 0 : i32
    %c0_i32_0 = arith.constant 0 : i32
    %c0_i32_1 = arith.constant 0 : i32
    return %c0_i32, %c0_i32_0 : i32, i32
  }
  func.func @transform_4(%arg0: i32) -> (i32, i32) {
    %c0_i32 = arith.constant 0 : i32
    %c0_i32_0 = arith.constant 0 : i32
    %c0_i32_1 = arith.constant 0 : i32
    return %c0_i32, %c0_i32_0 : i32, i32
  }
  func.func @transform_5(%arg0: i32) -> (i32, i32) {
    %c0_i32 = arith.constant 0 : i32
    %c0_i32_0 = arith.constant 0 : i32
    %c0_i32_1 = arith.constant 0 : i32
    return %c0_i32, %c0_i32_0 : i32, i32
  }
}

module attributes {stable_mosaic.version = 14 : i64} {
  func.func @_pick_block(%arg0: i32, %arg1: memref<2048x32xf32, #tpu.memory_space<vmem>>, %arg2: memref<2048x512xf32, #tpu.memory_space<vmem>>, %arg3: memref<2048x4xi32, #tpu.memory_space<vmem>>, %arg4: memref<2048x32xf32, #tpu.memory_space<vmem>>, %arg5: memref<2048x1xi32, #tpu.memory_space<vmem>>, %arg6: memref<1x1024xf32, #tpu.memory_space<vmem>>) attributes {dimension_semantics = [#tpu.dimension_semantics<arbitrary>], iteration_bounds = array<i64: 8>, scalar_prefetch = 0 : i64, scratch_operands = 0 : i64, tpu.core_type = #tpu.core_type<tc>, window_params = [{transform_indices = @transform_0, window_bounds = array<i64: 2048, 32>}, {transform_indices = @transform_1, window_bounds = array<i64: 2048, 512>}, {transform_indices = @transform_2, window_bounds = array<i64: 2048, 4>}, {transform_indices = @transform_3, window_bounds = array<i64: 2048, 32>}, {transform_indices = @transform_4, window_bounds = array<i64: 2048, 1>}, {pipeline_mode = #tpu.pipeline_mode<synchronous>, transform_indices = @transform_5, window_bounds = array<i64: 1, 1024>}]} {
    %eq3A = arith.constant 0 : i32
    %eq3A_0 = arith.cmpi eq, %arg0, %eq3A : i32
    %convert_element_type3A = arith.extui %eq3A_0 : i1 to i32
    %cond3A = arith.constant 0 : i32
    %cond3A_1 = arith.cmpi ne, %convert_element_type3A, %cond3A : i32
    scf.if %cond3A_1 {
      %broadcast_in_dim3A_86 = arith.constant 0.000000e+00 : f32
      %broadcast_in_dim3A_87 = vector.broadcast %broadcast_in_dim3A_86 : f32 to vector<1x1024xf32>
      %swap3A_88 = arith.constant 0 : index
      %swap3A_89 = arith.constant 0 : index
      %swap3A_90 = vector.load %arg6[%swap3A_88, %swap3A_89] : memref<1x1024xf32, #tpu.memory_space<vmem>>, vector<1x1024xf32>
      tpu.vector_store %arg6[%swap3A_88, %swap3A_89], %broadcast_in_dim3A_87 {strides = array<i32>} : memref<1x1024xf32, #tpu.memory_space<vmem>>, vector<1x1024xf32>,
    } else {
    }
    %get3A = arith.constant 0 : index
    %get3A_2 = arith.constant 0 : index
    %get3A_3 = vector.load %arg1[%get3A, %get3A_2] : memref<2048x32xf32, #tpu.memory_space<vmem>>, vector<2048x32xf32>
    %get3A_4 = arith.constant 0 : index
    %get3A_5 = arith.constant 0 : index
    %get3A_6 = vector.load %arg2[%get3A_4, %get3A_5] : memref<2048x512xf32, #tpu.memory_space<vmem>>, vector<2048x512xf32>
    %get3A_7 = arith.constant 0 : index
    %get3A_8 = arith.constant 0 : index
    %get3A_9 = vector.load %arg3[%get3A_7, %get3A_8] : memref<2048x4xi32, #tpu.memory_space<vmem>>, vector<2048x4xi32>
    %slice3A = vector.extract_strided_slice %get3A_6 {offsets = [0, 0], sizes = [2048, 32], strides = [1, 1]} : vector<2048x512xf32> to vector<2048x32xf32>
    %slice3A_10 = vector.extract_strided_slice %get3A_9 {offsets = [0, 0], sizes = [2048, 1], strides = [1, 1]} : vector<2048x4xi32> to vector<2048x1xi32>
    %mul3A = arith.mulf %get3A_3, %slice3A : vector<2048x32xf32>
    %reduce_sum3A = arith.constant dense<0.000000e+00> : vector<2048xf32>
    %reduce_sum3A_11 = vector.multi_reduction <add>, %mul3A, %reduce_sum3A [1] : vector<2048x32xf32> to vector<2048xf32>
    %broadcast_in_dim3A = vector.shape_cast %reduce_sum3A_11 : vector<2048xf32> to vector<2048x1xf32>
    %slice3A_12 = vector.extract_strided_slice %get3A_6 {offsets = [0, 128], sizes = [2048, 32], strides = [1, 1]} : vector<2048x512xf32> to vector<2048x32xf32>
    %slice3A_13 = vector.extract_strided_slice %get3A_9 {offsets = [0, 1], sizes = [2048, 1], strides = [1, 1]} : vector<2048x4xi32> to vector<2048x1xi32>
    %mul3A_14 = arith.mulf %get3A_3, %slice3A_12 : vector<2048x32xf32>
    %reduce_sum3A_15 = arith.constant dense<0.000000e+00> : vector<2048xf32>
    %reduce_sum3A_16 = vector.multi_reduction <add>, %mul3A_14, %reduce_sum3A_15 [1] : vector<2048x32xf32> to vector<2048xf32>
    %broadcast_in_dim3A_17 = vector.shape_cast %reduce_sum3A_16 : vector<2048xf32> to vector<2048x1xf32>
    %slice3A_18 = vector.extract_strided_slice %get3A_6 {offsets = [0, 256], sizes = [2048, 32], strides = [1, 1]} : vector<2048x512xf32> to vector<2048x32xf32>
    %slice3A_19 = vector.extract_strided_slice %get3A_9 {offsets = [0, 2], sizes = [2048, 1], strides = [1, 1]} : vector<2048x4xi32> to vector<2048x1xi32>
    %mul3A_20 = arith.mulf %get3A_3, %slice3A_18 : vector<2048x32xf32>
    %reduce_sum3A_21 = arith.constant dense<0.000000e+00> : vector<2048xf32>
    %reduce_sum3A_22 = vector.multi_reduction <add>, %mul3A_20, %reduce_sum3A_21 [1] : vector<2048x32xf32> to vector<2048xf32>
    %broadcast_in_dim3A_23 = vector.shape_cast %reduce_sum3A_22 : vector<2048xf32> to vector<2048x1xf32>
    %slice3A_24 = vector.extract_strided_slice %get3A_6 {offsets = [0, 384], sizes = [2048, 32], strides = [1, 1]} : vector<2048x512xf32> to vector<2048x32xf32>
    %slice3A_25 = vector.extract_strided_slice %get3A_9 {offsets = [0, 3], sizes = [2048, 1], strides = [1, 1]} : vector<2048x4xi32> to vector<2048x1xi32>
    %mul3A_26 = arith.mulf %get3A_3, %slice3A_24 : vector<2048x32xf32>
    %reduce_sum3A_27 = arith.constant dense<0.000000e+00> : vector<2048xf32>
    %reduce_sum3A_28 = vector.multi_reduction <add>, %mul3A_26, %reduce_sum3A_27 [1] : vector<2048x32xf32> to vector<2048xf32>
    %broadcast_in_dim3A_29 = vector.shape_cast %reduce_sum3A_28 : vector<2048xf32> to vector<2048x1xf32>
    %max3A = arith.maximumf %broadcast_in_dim3A, %broadcast_in_dim3A_17 : vector<2048x1xf32>
    %max3A_30 = arith.maximumf %max3A, %broadcast_in_dim3A_23 : vector<2048x1xf32>
    %max3A_31 = arith.maximumf %max3A_30, %broadcast_in_dim3A_29 : vector<2048x1xf32>
    %broadcast_in_dim3A_32 = arith.constant 1024 : i32
    %broadcast_in_dim3A_33 = vector.broadcast %broadcast_in_dim3A_32 : i32 to vector<2048x1xi32>
    %eq3A_34 = arith.cmpf oeq, %broadcast_in_dim3A, %max3A_31 : vector<2048x1xf32>
    %min3A = arith.minsi %broadcast_in_dim3A_33, %slice3A_10 : vector<2048x1xi32>
    %select_n3A = arith.select %eq3A_34, %min3A, %broadcast_in_dim3A_33 : vector<2048x1xi1>, vector<2048x1xi32>
    %eq3A_35 = arith.cmpf oeq, %broadcast_in_dim3A_17, %max3A_31 : vector<2048x1xf32>
    %min3A_36 = arith.minsi %select_n3A, %slice3A_13 : vector<2048x1xi32>
    %select_n3A_37 = arith.select %eq3A_35, %min3A_36, %select_n3A : vector<2048x1xi1>, vector<2048x1xi32>
    %eq3A_38 = arith.cmpf oeq, %broadcast_in_dim3A_23, %max3A_31 : vector<2048x1xf32>
    %min3A_39 = arith.minsi %select_n3A_37, %slice3A_19 : vector<2048x1xi32>
    %select_n3A_40 = arith.select %eq3A_38, %min3A_39, %select_n3A_37 : vector<2048x1xi1>, vector<2048x1xi32>
    %eq3A_41 = arith.cmpf oeq, %broadcast_in_dim3A_29, %max3A_31 : vector<2048x1xf32>
    %min3A_42 = arith.minsi %select_n3A_40, %slice3A_25 : vector<2048x1xi32>
    %select_n3A_43 = arith.select %eq3A_41, %min3A_42, %select_n3A_40 : vector<2048x1xi1>, vector<2048x1xi32>
    %swap3A = arith.constant 0 : index
    %swap3A_44 = arith.constant 0 : index
    %swap3A_45 = vector.load %arg5[%swap3A, %swap3A_44] : memref<2048x1xi32, #tpu.memory_space<vmem>>, vector<2048x1xi32>
    tpu.vector_store %arg5[%swap3A, %swap3A_44], %select_n3A_43 {strides = array<i32>} : memref<2048x1xi32, #tpu.memory_space<vmem>>, vector<2048x1xi32>,
    %iota3A = tpu.iota {dimensions = array<i32: 1>} : vector<2048x1024xi32>
    %get3A_46 = arith.constant 0 : index
    %get3A_47 = arith.constant 0 : index
    %get3A_48 = vector.load %arg6[%get3A_46, %get3A_47] : memref<1x1024xf32, #tpu.memory_space<vmem>>, vector<1x1024xf32>
    %eq3A_49 = vector.broadcast %select_n3A_43 : vector<2048x1xi32> to vector<2048x1024xi32>
    %eq3A_50 = arith.cmpi eq, %iota3A, %eq3A_49 : vector<2048x1024xi32>
    %convert_element_type3A_51 = arith.extui %eq3A_50 : vector<2048x1024xi1> to vector<2048x1024xi32>
    %convert_element_type3A_52 = arith.sitofp %convert_element_type3A_51 : vector<2048x1024xi32> to vector<2048x1024xf32>
    %reduce_sum3A_53 = arith.constant dense<0.000000e+00> : vector<1024xf32>
    %reduce_sum3A_54 = vector.multi_reduction <add>, %convert_element_type3A_52, %reduce_sum3A_53 [0] : vector<2048x1024xf32> to vector<1024xf32>
    %broadcast_in_dim3A_55 = vector.shape_cast %reduce_sum3A_54 : vector<1024xf32> to vector<1x1024xf32>
    %add3A = arith.addf %get3A_48, %broadcast_in_dim3A_55 : vector<1x1024xf32>
    %swap3A_56 = arith.constant 0 : index
    %swap3A_57 = arith.constant 0 : index
    %swap3A_58 = vector.load %arg6[%swap3A_56, %swap3A_57] : memref<1x1024xf32, #tpu.memory_space<vmem>>, vector<1x1024xf32>
    tpu.vector_store %arg6[%swap3A_56, %swap3A_57], %add3A {strides = array<i32>} : memref<1x1024xf32, #tpu.memory_space<vmem>>, vector<1x1024xf32>,
    %eq3A_59 = arith.cmpi eq, %slice3A_13, %select_n3A_43 : vector<2048x1xi32>
    %broadcast_in_dim3A_60 = vector.shape_cast %eq3A_59 : vector<2048x1xi1> to vector<2048x1xi1>
    %broadcast_in_dim3A_61 = vector.broadcast %broadcast_in_dim3A_60 : vector<2048x1xi1> to vector<2048x32xi1>
    %select_n3A_62 = arith.select %broadcast_in_dim3A_61, %slice3A_12, %slice3A : vector<2048x32xi1>, vector<2048x32xf32>
    %eq3A_63 = arith.cmpi eq, %slice3A_19, %select_n3A_43 : vector<2048x1xi32>
    %broadcast_in_dim3A_64 = vector.shape_cast %eq3A_63 : vector<2048x1xi1> to vector<2048x1xi1>
    %broadcast_in_dim3A_65 = vector.broadcast %broadcast_in_dim3A_64 : vector<2048x1xi1> to vector<2048x32xi1>
    %select_n3A_66 = arith.select %broadcast_in_dim3A_65, %slice3A_18, %select_n3A_62 : vector<2048x32xi1>, vector<2048x32xf32>
    %eq3A_67 = arith.cmpi eq, %slice3A_25, %select_n3A_43 : vector<2048x1xi32>
    %broadcast_in_dim3A_68 = vector.shape_cast %eq3A_67 : vector<2048x1xi1> to vector<2048x1xi1>
    %broadcast_in_dim3A_69 = vector.broadcast %broadcast_in_dim3A_68 : vector<2048x1xi1> to vector<2048x32xi1>
    %select_n3A_70 = arith.select %broadcast_in_dim3A_69, %slice3A_24, %select_n3A_66 : vector<2048x32xi1>, vector<2048x32xf32>
    %reduce_sum3A_71 = arith.constant dense<0.000000e+00> : vector<2048xf32>
    %reduce_sum3A_72 = vector.multi_reduction <add>, %select_n3A_70, %reduce_sum3A_71 [1] : vector<2048x32xf32> to vector<2048xf32>
    %broadcast_in_dim3A_73 = vector.shape_cast %reduce_sum3A_72 : vector<2048xf32> to vector<2048x1xf32>
    %div3A = arith.constant 3.200000e+01 : f32
    %div3A_74 = vector.broadcast %div3A : f32 to vector<2048x1xf32>
    %div3A_75 = arith.divf %broadcast_in_dim3A_73, %div3A_74 : vector<2048x1xf32>
    %sub3A = vector.broadcast %div3A_75 : vector<2048x1xf32> to vector<2048x32xf32>
    %sub3A_76 = arith.subf %select_n3A_70, %sub3A : vector<2048x32xf32>
    %mul3A_77 = arith.mulf %sub3A_76, %sub3A_76 : vector<2048x32xf32>
    %reduce_sum3A_78 = arith.constant dense<0.000000e+00> : vector<2048xf32>
    %reduce_sum3A_79 = vector.multi_reduction <add>, %mul3A_77, %reduce_sum3A_78 [1] : vector<2048x32xf32> to vector<2048xf32>
    %broadcast_in_dim3A_80 = vector.shape_cast %reduce_sum3A_79 : vector<2048xf32> to vector<2048x1xf32>
    %sqrt3A = math.sqrt %broadcast_in_dim3A_80 : vector<2048x1xf32>
    %div3A_81 = vector.broadcast %sqrt3A : vector<2048x1xf32> to vector<2048x32xf32>
    %div3A_82 = arith.divf %sub3A_76, %div3A_81 : vector<2048x32xf32>
    %swap3A_83 = arith.constant 0 : index
    %swap3A_84 = arith.constant 0 : index
    %swap3A_85 = vector.load %arg4[%swap3A_83, %swap3A_84] : memref<2048x32xf32, #tpu.memory_space<vmem>>, vector<2048x32xf32>
    tpu.vector_store %arg4[%swap3A_83, %swap3A_84], %div3A_82 {strides = array<i32>} : memref<2048x32xf32, #tpu.memory_space<vmem>>, vector<2048x32xf32>,
    return
  }
  func.func @transform_0(%arg0: i32) -> (i32, i32) {
    %c0_i32 = arith.constant 0 : i32
    %c0_i32_0 = arith.constant 0 : i32
    return %arg0, %c0_i32 : i32, i32
  }
  func.func @transform_1(%arg0: i32) -> (i32, i32) {
    %c0_i32 = arith.constant 0 : i32
    %c0_i32_0 = arith.constant 0 : i32
    return %arg0, %c0_i32 : i32, i32
  }
  func.func @transform_2(%arg0: i32) -> (i32, i32) {
    %c0_i32 = arith.constant 0 : i32
    %c0_i32_0 = arith.constant 0 : i32
    return %arg0, %c0_i32 : i32, i32
  }
  func.func @transform_3(%arg0: i32) -> (i32, i32) {
    %c0_i32 = arith.constant 0 : i32
    %c0_i32_0 = arith.constant 0 : i32
    return %arg0, %c0_i32 : i32, i32
  }
  func.func @transform_4(%arg0: i32) -> (i32, i32) {
    %c0_i32 = arith.constant 0 : i32
    %c0_i32_0 = arith.constant 0 : i32
    return %arg0, %c0_i32 : i32, i32
  }
  func.func @transform_5(%arg0: i32) -> (i32, i32) {
    %c0_i32 = arith.constant 0 : i32
    %c0_i32_0 = arith.constant 0 : i32
    %c0_i32_1 = arith.constant 0 : i32
    return %c0_i32, %c0_i32_0 : i32, i32
  }
}

</mosaic_0001>

<sc_bundles>
// kernel: kernel.5.cloned.1.call-start
scs
__scs_entry_jumppad:
0x0: {  	(pc) =	sbr.rel $0x88, $3  }
0x1: {  	(tag) =	ssettag $0x0;
	lr =	simm.s32 $0x1  }
0x2: {  	[smem:$0x3F9D] =	sst lr;
	_ =	strace $0xD0000000  }
0x3: {  	_ = 	snop  }
0x4: {  	_ = 	snop  }
0x5: {  	_ = 	snop  }
0x6: {  	_ = 	snop  }
0x7: {  	_ = 	snop  }
__scs_overlays_trampoline_lowered:
0x8: {  	[smem:$0x3FAC] =	sst s0  }
0x9: {  	[smem:$0x3FAD] =	sst s1  }
0xa: {  	[smem:$0x3FAE] =	sst s2  }
0xb: {  	[smem:$0x3FAF] =	sst s3  }
0xc: {  	[smem:$0x3FB0] =	sst s4  }
0xd: {  	[smem:$0x3FB1] =	sst s5  }
0xe: {  	[smem:$0x3FB2] =	sst s6  }
0xf: {  	[smem:$0x3FB3] =	sst s7  }
0x10: {  	[smem:$0x3FB4] =	sst s8  }
0x11: {  	[smem:$0x3FB5] =	sst s9;
	s0 =	simm.s32 @!p0 $0x0  }
0x12: {  	s1 =	sld [smem:$0x3F9B];
	s0 =	simm.s32 @p0 $0x1  }
0x13: {  	[smem:$0x3FB6] =	sst s0;
	s0 =	simm.s32 @!p1 $0x0  }
0x14: {  	s2 =	sld [smem:$0x3F9A];
	s0 =	simm.s32 @p1 $0x1  }
0x15: {  	[smem:$0x3FB7] =	sst s0;
	s0 =	simm.s32 @!p2 $0x0  }
0x16: {  	s3 =	sld [smem:$0x3FDB];
	s0 =	simm.s32 @p2 $0x1  }
0x17: {  	s4 =	simm.s32 $0x1BF5;
	[smem:$0x3FB9] =	sst s0  }
0x18: {  	s0 =	sld [smem:$0x3F9C];
	_ =	swait.ge [sflag:s4], $0x0  }
0x19: {  	s7 =	sld [smem:$0x3F9D]  }
0x1a: {  	s8 =	sadd.s32 $0xFFFFE003, lr  }
0x1b: {  	s9 =	sadd.s32 $0xFFFFFEF7, lr;
	s5 =	simm.s32 $0xFFFFFFFF;
	p2 =	slt.u32 s8, $0xFFFFF086  }
0x1c: {  	p1 =	slt.u32 s9, $0xF7A;
	s5 =	simm.s32 @!p2 $0x0  }
0x1d: {  	s5 =	simm.s32 @p1 $0x1;
	p0 =	seq.s32 s7, s2  }
0x1e: {  	s7 =	smul.u32 @!p0 $0xF7A, s2;
	p2 =	seq.s32 @!p0 s5, $0x0  }
0x1f: {  	s9 =	smul.u32 $0xF7A, s1;
	s8 =	simm.s32 @!p0 $0x1BF5;
	p2 =	por !p2, p0  }
0x20: {  	[sflag:s8] =	ssyncset.s32 @!p0 $0xFFFFF086;
	s6 =	sadd.s32 @!p0 s3, s7;
	s7 =	simm.s32 @!p0 $0x108  }
0x21: {  	s3 =	sadd.s32 s3, s9;
	s6 =	sadd.s32 @!p0 $0x88, s6;
	s7 =	simm.s32 @p2 $0x1082  }
0x22: {  	[simem:s7], [sflag:s8] =	dma.local @!p0 [hbm:s6], $0xF7A  }
0x23: {  	s9 =	sor.u32 $0xD0000000, s2;
	s6 =	simm.s32 $0x108;
	_ =	swait.ge @!p0 [sflag:s8], $0x0  }
0x24: {  	s3 =	sadd.s32 $0x88, s3;
	s6 =	simm.s32 @!p1 $0x1082;
	[sflag:s4] =	ssyncset.s32 $0xFFFFF086  }
0x25: {  	[simem:s6], [sflag:s4] =	dma.local [hbm:s3], $0xF7A  }
0x26: {  	[smem:$0x3F9D] =	sst s1;
	(tag) =	ssettag s2;
	_ =	strace s9  }
0x27: {  	s1 =	sld [smem:$0x3FAD]  }
0x28: {  	s2 =	sld [smem:$0x3FAE]  }
0x29: {  	s4 =	sld [smem:$0x3FB0]  }
0x2a: {  	p0 =	seq.s32 s5, $0x0;
	s5 =	sld [smem:$0x3FB1]  }
0x2b: {  	s6 =	sld [smem:$0x3FB2]  }
0x2c: {  	s7 =	sld [smem:$0x3FB3]  }
0x2d: {  	s3 =	simm.s32 $0x108;
	s8 =	sld [smem:$0x3FB4]  }
0x2e: {  	s3 =	simm.s32 @!p0 $0x1082;
	s9 =	sld [smem:$0x3FB5]  }
0x2f: {  	lr =	sadd.s32 s0, s3;
	s0 =	sld [smem:$0x3FAC]  }
0x30: {  	s3 =	sld [smem:$0x3FAF]  }
0x31: {  	[smem:$0x3FB8] =	sst s10  }
0x32: {  	s10 =	sld [smem:$0x3FB6];
	_ =	sdelay $0x3  }
0x33: {  	p0 =	seq.s32 s10, $0x1;
	s10 =	sld [smem:$0x3FB8];
	_ =	sdelay $0x3  }
0x34: {  	[smem:$0x3FB8] =	sst s10  }
0x35: {  	s10 =	sld [smem:$0x3FB7];
	_ =	sdelay $0x3  }
0x36: {  	p1 =	seq.s32 s10, $0x1;
	s10 =	sld [smem:$0x3FB8];
	_ =	sdelay $0x3  }
0x37: {  	[smem:$0x3FB8] =	sst s10  }
0x38: {  	s10 =	sld [smem:$0x3FB9]  }
0x39: {  	_ = 	snop;
	(pc) =	sbr.ind lr, $3  }
0x3a: {  	_ = 	snop  }
0x3b: {  	_ = 	snop  }
0x3c: {  	p2 =	seq.s32 s10, $0x1;
	s10 =	sld [smem:$0x3FB8]  }
0x3d: {  	_ =	shalt  }
0x3e: {  	_ =	shalt  }
0x3f: {  	_ =	shalt  }
0x40: {  	_ =	shalt  }
0x41: {  	_ =	shalt  }
0x42: {  	_ =	shalt  }
0x43: {  	_ =	shalt  }
0x44: {  	_ =	shalt  }
0x45: {  	_ =	shalt  }
0x46: {  	_ =	shalt  }
0x47: {  	_ =	shalt  }
0x48: {  	_ =	shalt  }
0x49: {  	_ =	shalt  }
0x4a: {  	_ =	shalt  }
0x4b: {  	_ =	shalt  }
0x4c: {  	_ =	shalt  }
0x4d: {  	_ =	shalt  }
0x4e: {  	_ =	shalt  }
0x4f: {  	_ =	shalt  }
0x50: {  	_ =	shalt  }
0x51: {  	_ =	shalt  }
0x52: {  	_ =	shalt  }
0x53: {  	_ =	shalt  }
0x54: {  	_ =	shalt  }
0x55: {  	_ =	shalt  }
0x56: {  	_ =	shalt  }
0x57: {  	_ =	shalt  }
0x58: {  	_ =	shalt  }
0x59: {  	_ =	shalt  }
0x5a: {  	_ =	shalt  }
0x5b: {  	_ =	shalt  }
0x5c: {  	_ =	shalt  }
0x5d: {  	_ =	shalt  }
0x5e: {  	_ =	shalt  }
0x5f: {  	_ =	shalt  }
0x60: {  	_ =	shalt  }
0x61: {  	_ =	shalt  }
0x62: {  	_ =	shalt  }
0x63: {  	_ =	shalt  }
0x64: {  	_ =	shalt  }
0x65: {  	_ =	shalt  }
0x66: {  	_ =	shalt  }
0x67: {  	_ =	shalt  }
0x68: {  	_ =	shalt  }
0x69: {  	_ =	shalt  }
0x6a: {  	_ =	shalt  }
0x6b: {  	_ =	shalt  }
0x6c: {  	_ =	shalt  }
0x6d: {  	_ =	shalt  }
0x6e: {  	_ =	shalt  }
0x6f: {  	_ =	shalt  }
0x70: {  	_ =	shalt  }
0x71: {  	_ =	shalt  }
0x72: {  	_ =	shalt  }
0x73: {  	_ =	shalt  }
0x74: {  	_ =	shalt  }
0x75: {  	_ =	shalt  }
0x76: {  	_ =	shalt  }
0x77: {  	_ =	shalt  }
0x78: {  	_ =	shalt  }
0x79: {  	_ =	shalt  }
0x7a: {  	_ =	shalt  }
0x7b: {  	_ =	shalt  }
0x7c: {  	_ =	shalt  }
0x7d: {  	_ =	shalt  }
0x7e: {  	_ =	shalt  }
0x7f: {  	_ =	shalt  }
0x80: {  	_ =	shalt  }
0x81: {  	_ =	shalt  }
0x82: {  	_ =	shalt  }
0x83: {  	_ =	shalt  }
0x84: {  	_ =	shalt  }
0x85: {  	_ =	shalt  }
0x86: {  	_ =	shalt  }
0x87: {  	_ =	shalt  }
.Lfunc_end0:
.L_simem_size_0:
called_computation_lowered:
.L_overlay_start_0:
0x88: {  	s2 =	sld [smem:$0x3FD9]  }
0x89: {  	s3 =	sld [smem:$0x3FFE];
	_ =	sdelay $0x1  }
0x8a: {  	s1 =	srdreg.scid  }
0x8b: {  	s0 =	sand.u32 $0x1, s1  }
0x8c: {  	s14 =	sshll.u32 s0, $0xA;
	s2 =	sadd.s32 s3, s2  }
0x8d: {  	s2 =	sadd.s32 s2, s14  }
0x8e: {  	[smem:$0x3FC4] =	sst s2  }
0x8f: {  	_ = 	snop  }
0x90: {  	s2 =	sld [smem:$0x3FD0];
	_ =	sdelay $0x2  }
0x91: {  	s15 =	simm.s32 $0xA;
	s4 =	simm.s32 $0x10  }
0x92: {  	[smem:s4], [sflag:s15] =	dma.local [hbm:s2], $0x1  }
0x93: {  	_ =	swait.eq [sflag:s15], $0x1  }
0x94: {  	[sflag:s15] =	ssyncset.done $0x0  }
0x95: {  	s16 =	sld [smem:$0x10];
	[sflag:s15] =	ssyncadd.s32 $0xFFFFFFFF  }
0x96: {  	s17 =	sld [smem:$0x11];
	(tm) =	ssettm $0x1  }
0x97: {  	s18 =	sld [smem:$0x3FFB];
	_ =	sdelay $0x3  }
0x98: {  	_ =	strace s18  }
0x99: {  	s4 =	sld [smem:$0x3FFC];
	_ =	sdelay $0x3  }
0x9a: {  	_ =	strace s4  }
0x9b: {  	s4 =	sld [smem:$0x3FFD];
	_ =	sdelay $0x3  }
0x9c: {  	_ =	strace s4  }
0x9d: {  	_ =	strace $0x8FFFFFFF  }
0x9e: {  	s19 =	sld [smem:$0x3FDB];
	_ =	sdelay $0x1  }
0x9f: {  	s5 =	simm.s32 $_scs_section_size  }
0xa0: {  	s6 =	simm.s32 $_size__tile_overlayer_lowered;
	s7 =	simm.s32 $_tile_overlayer_lowered  }
0xa1: {  	s22 =	simm.s32 $0x1BFF;
	s21 =	sshll.u32 s7, $0x1;
	s4 =	sadd.s32 s5, s19  }
0xa2: {  	s8 =	simm.s32 $0x0;
	s20 =	sshll.u32 s6, $0x1;
	s6 =	sadd.s32 s21, s4  }
0xa3: {  	[timem:s8], [sflag:s22] =	dma.local [hbm:s6], s20  }
0xa4: {  	_ =	swait.ge [sflag:s22], s20  }
0xa5: {  	s5 =	ssub.s32 $0x0, s20;
	[sflag:s22] =	ssyncset.done $0x0  }
0xa6: {  	[sflag:s22] =	ssyncadd.s32 s5;
	_ =	sdelay $0x1  }
0xa7: {  	s23 =	simm.s32 $0x1B8B  }
0xa8: {  	_ =	swait.ge [sflag:s23], $0x1  }
0xa9: {  	[sflag:s23] =	ssyncset.done $0x0  }
0xaa: {  	s25 =	simm.s32 $0x1B8E;
	s24 =	sld [smem:$0x3FFE];
	[sflag:s23] =	ssyncadd.s32 $0xFFFFFFFF  }
0xab: {  	s26 =	simm.s32 $execute0_lowered;
	[smem:$0x3FD2] =	sst s25  }
0xac: {  	s6 =	sshll.u32 s26, $0x1;
	_ =	strace $0x80000046;
	[dreg:$0x1] =	wrdreg $0xFFFFFFFF  }
0xad: {  	s28 =	simm.s32 $_size_execute0_lowered;
	s4 =	sadd.s32 s4, s6;
	[dreg:$0x0] =	wrdreg $0x0  }
0xae: {  	s6 =	sshll.u32 s28, $0x1;
	[dreg:$0x2] =	wrdreg s4  }
0xaf: {  	[dreg:$0x3] =	wrdreg s6  }
0xb0: {  	[dreg:$0x4] =	wrdreg $0xC0  }
0xb1: {  	_ =	task [dreg:s8], $0x5FFFF  }
0xb2: {  	[dreg:$0x1] =	wrdreg $0xFFFFFFFF  }
0xb3: {  	[dreg:$0x0] =	wrdreg $0x60  }
0xb4: {  	[dreg:$0x2] =	wrdreg s16  }
0xb5: {  	[dreg:$0x3] =	wrdreg s17  }
0xb6: {  	[dreg:$0x4] =	wrdreg s24  }
0xb7: {  	[dreg:$0x5] =	wrdreg $0x9  }
0xb8: {  	_ =	task.clear_ibuf [dreg:s8], $0x6FFFF;
	_ =	strace $0x90000046  }
0xb9: {  	s29 =	simm.s32 $0x9;
	_ =	strace $0x80000048  }
0xba: {  	_ =	swait.ge [sflag:s29], $0x1  }
0xbb: {  	[sflag:s29] =	ssyncadd.s32 $0xFFFFFFFF  }
0xbc: {  	_ =	strace $0x90000048  }
0xbd: {  	_ =	sfence  }
0xbe: {  	s30 =	sld [smem:$0x0];
	_ =	sdelay $0x2  }
0xbf: {  	s31 =	sshll.u32 s1, $0xD;
	s1 =	sshrl.u32 s1, $0x2  }
0xc0: {  	s3 =	sand.u32 $0x4000, s31;
	s1 =	sadd.s32 s1, s30  }
0xc1: {  	s0 =	sor.u32 s3, s0;
	s1 =	sshll.u32 s1, $0x11  }
0xc2: {  	s0 =	sor.u32 s1, s0  }
0xc3: {  	s0 =	sadd.s32 $0x8F2B, s0  }
0xc4: {  	[sflag:s0] =	ssyncadd.remote.s32 $0x1  }
0xc5: {  	_ =	sfence.sel $0xFFFF  }
0xc6: {  	[dreg:$0x0] =	wrdreg $0xFFFFFFFF;
	(pc) =	sbr.abs _section_cstart, $3  }
0xc7: {  	[dreg:$0x1] =	wrdreg $0xFFFFFFFF  }
0xc8: {  	_ =	task.clear_ibuf [dreg:s8], $0x2FFFF;
	_ =	strace $0x9FFFFFFF  }
0xc9: {  	(tm) =	ssettm $0x7FFFFFFF  }
tec
execute0_lowered:
.L_overlay_start_1:
0x0: {  	(tag) =	ssettag $0x1  }
0x1: {  	s1 =	rddreg [dreg:$0x0];
	s2 =	srdreg.scid  }
0x2: {  	s13 =	rddreg [dreg:$0x1];
	s0 =	stileid.u32;
	s14 =	sand.u32 $0x1, s2  }
0x3: {  	s8 =	rddreg [dreg:$0x2];
	s4 =	sshll.u32 s0, $0xC;
	s5 =	sshll.u32 s14, $0xB  }
0x4: {  	s3 =	simm.s32 $0x0;
	s2 =	rddreg [dreg:$0x3];
	s15 =	sor.u32 s5, s4  }
0x5: {  	[smem:$0x7FF] =	sst s3;
	s4 =	sshrl.u32 s15, $0x3  }
0x6: {  	_ =	strace $0x80000047;
	s5 =	sadd.s32 s13, s4;
	s4 =	simm.s32 $0x2  }
0x7: {  	[tilespmem:s3], [sflag:$0x2] =	stream.linear.gather [hbm4b:s5+s3], $0x200, $0x38;
	[tilespmem:$0x10200] =	vst v63  }
0x8: {  	_ =	swait.ge [sflag:s4], $0x200  }
0x9: {  	[sflag:s4] =	ssyncset.done $0x0  }
0xa: {  	s6 =	simm.s32 $0x200;
	s7 =	simm.s32 $0x1;
	[sflag:s4] =	ssyncadd.s32 $0xFFFFFE00  }
0xb: {  	[tilespmem:s6], [sflag:$0x1] =	stream.indirect.gather [hbm4b:s1+s6], $0x80, s3, s6, $0xb8;
	[tilespmem:$0x10200] =	vst v63  }
0xc: {  	_ =	swait.ge [sflag:s7], $0x10000  }
0xd: {  	s16 =	sadd.s32 $0x80C00, s8;
	s28 =	sshll.u32 s15, $0x4;
	[sflag:s7] =	ssyncset.done $0x0  }
0xe: {  	s8 =	sadd.s32 s16, s28;
	[sflag:s7] =	ssyncadd.s32 $0xFFFF0000  }
0xf: {  	[hbm4b:s8+s3] =	stream.linear.scatter [tilespmem:s6], [sflag:$0x2], $0x10000, $0x38;
	[tilespmem:$0x10200] =	vst v63  }
0x10: {  	s10 =	sor.u32 $0x200, s15;
	_ =	swait.ge [sflag:s4], $0x10000  }
0x11: {  	s9 =	sshrl.u32 s10, $0x3;
	[sflag:s4] =	ssyncset.done $0x0  }
0x12: {  	s9 =	sadd.s32 s13, s9;
	[sflag:s4] =	ssyncadd.s32 $0xFFFF0000  }
0x13: {  	[tilespmem:s3], [sflag:$0x2] =	stream.linear.gather [hbm4b:s9+s3], $0x200, $0x38;
	[tilespmem:$0x10200] =	vst v63  }
0x14: {  	_ =	swait.ge [sflag:s4], $0x200  }
0x15: {  	[sflag:s4] =	ssyncset.done $0x0  }
0x16: {  	[sflag:s4] =	ssyncadd.s32 $0xFFFFFE00  }
0x17: {  	[tilespmem:s6], [sflag:$0x1] =	stream.indirect.gather [hbm4b:s1+s6], $0x80, s3, s6, $0xb8;
	[tilespmem:$0x10200] =	vst v63  }
0x18: {  	_ =	swait.ge [sflag:s7], $0x10000  }
0x19: {  	s10 =	sshll.u32 s10, $0x4;
	[sflag:s7] =	ssyncset.done $0x0  }
0x1a: {  	s10 =	sadd.s32 s16, s10;
	[sflag:s7] =	ssyncadd.s32 $0xFFFF0000  }
0x1b: {  	[hbm4b:s10+s3] =	stream.linear.scatter [tilespmem:s6], [sflag:$0x2], $0x10000, $0x38;
	[tilespmem:$0x10200] =	vst v63  }
0x1c: {  	s12 =	sor.u32 $0x400, s15;
	_ =	swait.ge [sflag:s4], $0x10000  }
0x1d: {  	s11 =	sshrl.u32 s12, $0x3;
	[sflag:s4] =	ssyncset.done $0x0  }
0x1e: {  	s11 =	sadd.s32 s13, s11;
	[sflag:s4] =	ssyncadd.s32 $0xFFFF0000  }
0x1f: {  	[tilespmem:s3], [sflag:$0x2] =	stream.linear.gather [hbm4b:s11+s3], $0x200, $0x38;
	[tilespmem:$0x10200] =	vst v63  }
0x20: {  	_ =	swait.ge [sflag:s4], $0x200  }
0x21: {  	[sflag:s4] =	ssyncset.done $0x0  }
0x22: {  	[sflag:s4] =	ssyncadd.s32 $0xFFFFFE00  }
0x23: {  	[tilespmem:s6], [sflag:$0x1] =	stream.indirect.gather [hbm4b:s1+s6], $0x80, s3, s6, $0xb8;
	[tilespmem:$0x10200] =	vst v63  }
0x24: {  	_ =	swait.ge [sflag:s7], $0x10000  }
0x25: {  	s12 =	sshll.u32 s12, $0x4;
	[sflag:s7] =	ssyncset.done $0x0  }
0x26: {  	s12 =	sadd.s32 s16, s12;
	[sflag:s7] =	ssyncadd.s32 $0xFFFF0000  }
0x27: {  	[hbm4b:s12+s3] =	stream.linear.scatter [tilespmem:s6], [sflag:$0x2], $0x10000, $0x38;
	[tilespmem:$0x10200] =	vst v63  }
0x28: {  	s15 =	sor.u32 $0x600, s15;
	_ =	swait.ge [sflag:s4], $0x10000  }
0x29: {  	s17 =	sshrl.u32 s15, $0x3;
	[sflag:s4] =	ssyncset.done $0x0  }
0x2a: {  	s14 =	ssub.s32 $0x2, s14;
	s13 =	sadd.s32 s13, s17;
	[sflag:s4] =	ssyncadd.s32 $0xFFFF0000  }
0x2b: {  	[tilespmem:s3], [sflag:$0x2] =	stream.linear.gather [hbm4b:s13+s3], $0x200, $0x38;
	[tilespmem:$0x10200] =	vst v63  }
0x2c: {  	s29 =	sshrl.u32 s14, $0x1;
	_ =	swait.ge [sflag:s4], $0x200  }
0x2d: {  	s17 =	ssub.s32 s14, s29;
	[sflag:s4] =	ssyncset.done $0x0  }
0x2e: {  	s31 =	smax.u32 s17, $0x1;
	[sflag:s4] =	ssyncadd.s32 $0xFFFFFE00  }
0x2f: {  	[tilespmem:s6], [sflag:$0x1] =	stream.indirect.gather [hbm4b:s1+s6], $0x80, s3, s6, $0xb8;
	[tilespmem:$0x10200] =	vst v63  }
0x30: {  	p0 =	sne.s32 s31, $0x1;
	_ =	swait.ge [sflag:s7], $0x10000  }
.Ltmp0:
0x31: {  	s30 =	sshll.u32 s15, $0x4;
	[sflag:s7] =	ssyncset.done $0x0;
	(pc) =	sbr.rel @!p0 .LBB2_2-.Ltmp0, $4  }
0x32: {  	s14 =	sadd.s32 s16, s30;
	[sflag:s7] =	ssyncadd.s32 $0xFFFF0000  }
0x33: {  	[hbm4b:s14+s3] =	stream.linear.scatter [tilespmem:s6], [sflag:$0x2], $0x10000, $0x38;
	[tilespmem:$0x10200] =	vst v63  }
0x34: {  	_ =	swait.ge [sflag:s4], $0x10000  }
0x35: {  	s15 =	sadd.s32 $0xFFFFFFFF, s31;
	[sflag:s4] =	ssyncset.done $0x0  }
.LBB2_1:
0x36: {  	p0 =	sne.s32 s15, $0x1;
	s15 =	sadd.s32 $0xFFFFFFFF, s15;
	[sflag:s4] =	ssyncadd.s32 $0xFFFF0000  }
0x37: {  	[tilespmem:s3], [sflag:$0x2] =	stream.linear.gather [hbm4b:s5+s3], $0x200, $0x38;
	[tilespmem:$0x10200] =	vst v63  }
0x38: {  	_ =	swait.ge [sflag:s4], $0x200  }
0x39: {  	[sflag:s4] =	ssyncset.done $0x0  }
0x3a: {  	[sflag:s4] =	ssyncadd.s32 $0xFFFFFE00  }
0x3b: {  	[tilespmem:s6], [sflag:$0x1] =	stream.indirect.gather [hbm4b:s1+s6], $0x80, s3, s6, $0xb8;
	[tilespmem:$0x10200] =	vst v63  }
0x3c: {  	_ =	swait.ge [sflag:s7], $0x10000  }
0x3d: {  	[sflag:s7] =	ssyncset.done $0x0  }
0x3e: {  	[sflag:s7] =	ssyncadd.s32 $0xFFFF0000  }
0x3f: {  	[hbm4b:s8+s3] =	stream.linear.scatter [tilespmem:s6], [sflag:$0x2], $0x10000, $0x38;
	[tilespmem:$0x10200] =	vst v63  }
0x40: {  	_ =	swait.ge [sflag:s4], $0x10000  }
0x41: {  	[sflag:s4] =	ssyncset.done $0x0  }
0x42: {  	[sflag:s4] =	ssyncadd.s32 $0xFFFF0000  }
0x43: {  	[tilespmem:s3], [sflag:$0x2] =	stream.linear.gather [hbm4b:s9+s3], $0x200, $0x38;
	[tilespmem:$0x10200] =	vst v63  }
0x44: {  	_ =	swait.ge [sflag:s4], $0x200  }
0x45: {  	[sflag:s4] =	ssyncset.done $0x0  }
0x46: {  	[sflag:s4] =	ssyncadd.s32 $0xFFFFFE00  }
0x47: {  	[tilespmem:s6], [sflag:$0x1] =	stream.indirect.gather [hbm4b:s1+s6], $0x80, s3, s6, $0xb8;
	[tilespmem:$0x10200] =	vst v63  }
0x48: {  	_ =	swait.ge [sflag:s7], $0x10000  }
0x49: {  	[sflag:s7] =	ssyncset.done $0x0  }
0x4a: {  	[sflag:s7] =	ssyncadd.s32 $0xFFFF0000  }
0x4b: {  	[hbm4b:s10+s3] =	stream.linear.scatter [tilespmem:s6], [sflag:$0x2], $0x10000, $0x38;
	[tilespmem:$0x10200] =	vst v63  }
0x4c: {  	_ =	swait.ge [sflag:s4], $0x10000  }
0x4d: {  	[sflag:s4] =	ssyncset.done $0x0  }
0x4e: {  	[sflag:s4] =	ssyncadd.s32 $0xFFFF0000  }
0x4f: {  	[tilespmem:s3], [sflag:$0x2] =	stream.linear.gather [hbm4b:s11+s3], $0x200, $0x38;
	[tilespmem:$0x10200] =	vst v63  }
0x50: {  	_ =	swait.ge [sflag:s4], $0x200  }
0x51: {  	[sflag:s4] =	ssyncset.done $0x0  }
0x52: {  	[sflag:s4] =	ssyncadd.s32 $0xFFFFFE00  }
0x53: {  	[tilespmem:s6], [sflag:$0x1] =	stream.indirect.gather [hbm4b:s1+s6], $0x80, s3, s6, $0xb8;
	[tilespmem:$0x10200] =	vst v63  }
0x54: {  	_ =	swait.ge [sflag:s7], $0x10000  }
0x55: {  	[sflag:s7] =	ssyncset.done $0x0  }
0x56: {  	[sflag:s7] =	ssyncadd.s32 $0xFFFF0000  }
0x57: {  	[hbm4b:s12+s3] =	stream.linear.scatter [tilespmem:s6], [sflag:$0x2], $0x10000, $0x38;
	[tilespmem:$0x10200] =	vst v63  }
0x58: {  	_ =	swait.ge [sflag:s4], $0x10000  }
0x59: {  	[sflag:s4] =	ssyncset.done $0x0  }
0x5a: {  	[sflag:s4] =	ssyncadd.s32 $0xFFFF0000  }
0x5b: {  	[tilespmem:s3], [sflag:$0x2] =	stream.linear.gather [hbm4b:s13+s3], $0x200, $0x38;
	[tilespmem:$0x10200] =	vst v63  }
0x5c: {  	_ =	swait.ge [sflag:s4], $0x200  }
0x5d: {  	[sflag:s4] =	ssyncset.done $0x0  }
0x5e: {  	[sflag:s4] =	ssyncadd.s32 $0xFFFFFE00  }
0x5f: {  	[tilespmem:s6], [sflag:$0x1] =	stream.indirect.gather [hbm4b:s1+s6], $0x80, s3, s6, $0xb8;
	[tilespmem:$0x10200] =	vst v63  }
0x60: {  	_ =	swait.ge [sflag:s7], $0x10000  }
.Ltmp1:
0x61: {  	[sflag:s7] =	ssyncset.done $0x0;
	(pc) =	sbr.rel @p0 .LBB2_1-.Ltmp1, $4  }
0x62: {  	[sflag:s7] =	ssyncadd.s32 $0xFFFF0000  }
0x63: {  	[hbm4b:s14+s3] =	stream.linear.scatter [tilespmem:s6], [sflag:$0x2], $0x10000, $0x38;
	[tilespmem:$0x10200] =	vst v63  }
0x64: {  	_ =	swait.ge [sflag:s4], $0x10000  }
0x65: {  	[sflag:s4] =	ssyncset.done $0x0  }
.LBB2_2:
0x66: {  	[sflag:s4] =	ssyncadd.s32 $0xFFFF0000  }
0x67: {  	_ =	sfence.sel $0x180000  }
0x68: {  	[bflag:$0x0] =	sbarrier.arrive $0xFFFF  }
0x69: {  	p0 =	sne.s32 s0, $0x0;
	_ =	strace $0x90000047  }
0x6a: {  	s0 =	sadd.s32 @!p0 $0x100000, s2;
	[bflag:$0x2] =	sbarrier.arrive $0xFFFF  }
0x6b: {  	[sflag:s0] =	ssyncadd.tile.s32 @!p0 $0x1;
	_ =	shalt  }
.Lfunc_end2:
_tile_overlayer_lowered:
.L_overlay_start_2:
0x6c: {  	(tag) =	ssettag $0x2  }
0x6d: {  	s0 =	rddreg [dreg:$0x0];
	s2 =	stileid.u32  }
0x6e: {  	s1 =	rddreg [dreg:$0x1];
	p0 =	sne.s32 s2, $0x0  }
0x6f: {  	s3 =	rddreg [dreg:$0x2];
	[bflag:$0x3] =	sbarrier.arrive $0xFFFF;
	s2 =	simm.s32 @!p0 $0x1C02  }
0x70: {  	[timem:s3], [sflag:s2] =	dma.local @!p0 [hbm:s0], s1  }
0x71: {  	s0 =	simm.s32 @!p0 $0x2  }
0x72: {  	_ =	swait.ge @!p0 [sflag:s0], s1  }
0x73: {  	s1 =	ssub.s32 @!p0 $0x0, s1;
	[sflag:s0] =	ssyncset.done @!p0 $0x0  }
0x74: {  	[sflag:s0] =	ssyncadd.s32 @!p0 s1  }
0x75: {  	[bflag:$0x3] =	sbarrier.arrive $0xFFFF  }
0x76: {  	_ =	shalt  }

</sc_bundles>
